<compile_context>
chip_gen: v7x
topology: tpu7x:2x2x1
jax: 0.10.2.dev20260603
libtpu: 0.0.44.dev20260713+nightly
codegen_flags: <defaults>
</compile_context>

<pallas_src>
import jax
import jax.numpy as jnp
from jax import lax
from jax.experimental import pallas as pl
from jax.experimental.pallas import tpu as pltpu
from jax.experimental.pallas import tpu_sc as plsc

VOC_SIZE = 1000000
EMB_SIZE = 64
ROW_PAD = 128
BATCH = 16384

NUM_CORES = 2
NUM_SUBCORES = 16
NUM_WORKERS = NUM_CORES * NUM_SUBCORES
BPW = BATCH // NUM_WORKERS
CHUNK = 128
NCHUNK = BPW // CHUNK
LANES = 16
NGROUP_C = CHUNK // LANES


def _rsqrt(v):
    xi = plsc.bitcast(v, jnp.int32)
    yi = jnp.full((LANES,), 0x5F3759DF, jnp.int32) - lax.shift_right_logical(
        xi, jnp.full((LANES,), 1, jnp.int32))
    y = plsc.bitcast(yi, jnp.float32)
    h = v * 0.5
    for _ in range(3):
        y = y * (1.5 - h * y * y)
    return y


def _body(idx0_hbm, idx1_hbm, off0_hbm, off1_hbm, table_hbm, out_hbm,
          idx0_v, idx1_v, off0_v, off1_v, rows0_v, rows1_v, out_v,
          sem0, sem1):
    c = lax.axis_index("c")
    s = lax.axis_index("s")
    wid = s * NUM_CORES + c
    base = wid * BPW

    iota = lax.iota(jnp.int32, LANES)
    zero = jnp.zeros((LANES,), jnp.float32)

    def chunk(h, carry):
        hbase = base + h * CHUNK
        pltpu.sync_copy(idx0_hbm.at[pl.ds(hbase, CHUNK)], idx0_v)
        pltpu.sync_copy(idx1_hbm.at[pl.ds(hbase, CHUNK)], idx1_v)
        pltpu.sync_copy(off0_hbm.at[pl.ds(hbase, CHUNK)], off0_v)
        pltpu.sync_copy(off1_hbm.at[pl.ds(hbase, CHUNK)], off1_v)
        cp0 = pltpu.async_copy(table_hbm.at[idx0_v], rows0_v, sem0)
        cp1 = pltpu.async_copy(table_hbm.at[idx1_v], rows1_v, sem1)
        cp0.wait()
        cp1.wait()

        def group(g, carry2):
            row_idx = g * LANES + iota
            a_off = off0_v[pl.ds(g * LANES, LANES)]
            b_off = off1_v[pl.ds(g * LANES, LANES)]
            dot, n0, n1 = zero, zero, zero
            for j in range(EMB_SIZE):
                cj = jnp.full((LANES,), j, jnp.int32)
                a = plsc.load_gather(rows0_v, [row_idx, cj + a_off])
                b = plsc.load_gather(rows1_v, [row_idx, cj + b_off])
                dot = dot + a * b
                n0 = n0 + a * a
                n1 = n1 + b * b
            out_v[pl.ds(h * CHUNK + g * LANES, LANES)] = dot * _rsqrt(n0 * n1)
            return carry2

        lax.fori_loop(0, NGROUP_C, group, 0)
        return carry

    lax.fori_loop(0, NCHUNK, chunk, 0)
    pltpu.sync_copy(out_v, out_hbm.at[pl.ds(base, BPW)])


@jax.jit
def _w2vec_sc(idx0, idx1, off0, off1, table2):
    mesh = plsc.VectorSubcoreMesh(core_axis_name="c", subcore_axis_name="s")
    return pl.kernel(
        _body,
        mesh=mesh,
        out_type=jax.ShapeDtypeStruct((BATCH,), jnp.float32),
        scratch_types=[
            pltpu.VMEM((CHUNK,), jnp.int32),
            pltpu.VMEM((CHUNK,), jnp.int32),
            pltpu.VMEM((CHUNK,), jnp.int32),
            pltpu.VMEM((CHUNK,), jnp.int32),
            pltpu.VMEM((CHUNK, ROW_PAD), jnp.float32),
            pltpu.VMEM((CHUNK, ROW_PAD), jnp.float32),
            pltpu.VMEM((BPW,), jnp.float32),
            pltpu.SemaphoreType.DMA,
            pltpu.SemaphoreType.DMA,
        ],
        compiler_params=pltpu.CompilerParams(
            needs_layout_passes=False, use_tc_tiling_on_sc=True),
    )(idx0, idx1, off0, off1, table2)


def kernel(x, table):
    table2 = table.reshape(VOC_SIZE // 2, ROW_PAD)
    idx = lax.shift_right_logical(x, 1)
    off = (x & 1) * EMB_SIZE
    return _w2vec_sc(idx[0], idx[1], off[0], off[1], table2)

# --- scband reference (transcript-rebuilt; emitter-appended) ---
"""Pipeline reference for scband-w2-vec-85091892068398 (READ-ONLY COPY).

The authoritative reference and input builder live on the scoring server;
editing this copy changes nothing except your own understanding.
"""

import jax, jax.numpy as jnp
import numpy as np

VOC_SIZE = 1000000
EMB_SIZE = 64
BATCH = 16384

def setup_inputs(seed: int = 0) -> dict:
    key = jax.random.key(seed)
    k1, k2 = jax.random.split(key)
    x = jax.random.randint(k1, (2, BATCH), 0, VOC_SIZE, dtype=jnp.int64 if jax.config.jax_enable_x64 else jnp.int32).astype(jnp.int32)
    table = jax.random.normal(k2, (VOC_SIZE, EMB_SIZE), dtype=jnp.float32)
    return {"x": x, "table": table}

def reference(x, table):
    # x: int[2, B]; table: float32[voc_size, emb_size]
    x0_emb = jnp.take(table, x[0], axis=0)  # [B, E]
    x1_emb = jnp.take(table, x[1], axis=0)  # [B, E]
    dot = jnp.sum(x0_emb * x1_emb, axis=-1)
    n0 = jnp.linalg.norm(x0_emb, axis=-1)
    n1 = jnp.linalg.norm(x1_emb, axis=-1)
    cos_distance = dot / (n0 * n1)
    return cos_distance

if __name__ == "__main__":
    import jax
    _d = setup_inputs()
    print(jax.jit(kernel)(*tuple(_d.values())))

</pallas_src>

<mosaic_0001>
#map = affine_map<(d0, d1) -> (0)>
#map1 = affine_map<(d0, d1) -> (0, 0)>
module attributes {stable_mosaic.version = 14 : i64} {
  func.func @_body(%arg0: i32, %arg1: i32, %arg2: memref<16384xi32, #tpu.memory_space<hbm>>, %arg3: memref<16384xi32, #tpu.memory_space<hbm>>, %arg4: memref<16384xi32, #tpu.memory_space<hbm>>, %arg5: memref<16384xi32, #tpu.memory_space<hbm>>, %arg6: memref<500000x128xf32, #tpu.memory_space<hbm>>, %arg7: memref<16384xf32, #tpu.memory_space<hbm>>, %arg8: memref<128xi32, #tpu.memory_space<vmem>>, %arg9: memref<128xi32, #tpu.memory_space<vmem>>, %arg10: memref<128xi32, #tpu.memory_space<vmem>>, %arg11: memref<128xi32, #tpu.memory_space<vmem>>, %arg12: memref<128x128xf32, #tpu.memory_space<vmem>>, %arg13: memref<128x128xf32, #tpu.memory_space<vmem>>, %arg14: memref<512xf32, #tpu.memory_space<vmem>>, %arg15: memref<!tpu.dma_semaphore, #tpu.memory_space<semaphore_mem>>, %arg16: memref<!tpu.dma_semaphore, #tpu.memory_space<semaphore_mem>>) attributes {dimension_semantics = [#tpu.dimension_semantics<core_parallel>, #tpu.dimension_semantics<subcore_parallel>], iteration_bounds = array<i64: 2, 16>, scalar_prefetch = 0 : i64, scratch_operands = 9 : i64, tpu.core_type = #tpu.core_type<sc_vector_subcore>, window_params = [{transform_indices = #map}, {transform_indices = #map}, {transform_indices = #map}, {transform_indices = #map}, {transform_indices = #map1}, {transform_indices = #map}]} {
    %mul3A = arith.constant 2 : i32
    %mul3A_0 = arith.muli %arg1, %mul3A : i32
    %add3A = arith.addi %mul3A_0, %arg0 : i32
    %mul3A_1 = arith.constant 512 : i32
    %mul3A_2 = arith.muli %add3A, %mul3A_1 : i32
    %iota3A = tpu.iota {dimensions = array<i32: 0>} : vector<16xi32>
    %broadcast_in_dim3A = arith.constant 0.000000e+00 : f32
    %broadcast_in_dim3A_3 = vector.broadcast %broadcast_in_dim3A : f32 to vector<16xf32>
    %scan3A = arith.constant 0 : i32
    %scan3A_4 = arith.constant 0 : i32
    %scan3A_5 = arith.constant 4 : i32
    %scan3A_6 = arith.addi %scan3A_4, %scan3A_5 : i32
    %scan3A_7 = arith.constant 1 : i32
    scf.for %scan3A_9 = %scan3A_4 to %scan3A_6 step %scan3A_7  : i32 {
      %mul3A_10 = arith.constant 128 : i32
      %mul3A_11 = arith.muli %scan3A_9, %mul3A_10 : i32
      %add3A_12 = arith.addi %mul3A_2, %mul3A_11 : i32
      "tpu.region"() ({
        %run_scoped3A = tpu.sem_alloc : memref<!tpu.dma_semaphore, #tpu.memory_space<semaphore_mem>>
        %dma_start3A_29 = tpu.memref_slice %arg2[%add3A_12] : memref<16384xi32, #tpu.memory_space<hbm>> -> memref<128xi32, #tpu.memory_space<hbm>>
        %dma_start3A_30 = tpu.memref_slice %arg2[%add3A_12] : memref<16384xi32, #tpu.memory_space<hbm>> -> memref<128xi32, #tpu.memory_space<hbm>>
        tpu.enqueue_dma source(%dma_start3A_30 : memref<128xi32, #tpu.memory_space<hbm>>) target(%arg8 : memref<128xi32, #tpu.memory_space<vmem>>) target_semaphore(%run_scoped3A : memref<!tpu.dma_semaphore, #tpu.memory_space<semaphore_mem>>)
        %dma_wait3A_31 = tpu.memref_slice %arg2[%add3A_12] : memref<16384xi32, #tpu.memory_space<hbm>> -> memref<128xi32, #tpu.memory_space<hbm>>
        %dma_wait3A_32 = tpu.memref_slice %arg2[%add3A_12] : memref<16384xi32, #tpu.memory_space<hbm>> -> memref<128xi32, #tpu.memory_space<hbm>>
        tpu.wait_dma2 semaphore(%run_scoped3A : memref<!tpu.dma_semaphore, #tpu.memory_space<semaphore_mem>>) src(%dma_wait3A_32 : memref<128xi32, #tpu.memory_space<hbm>>) dst(%arg8 : memref<128xi32, #tpu.memory_space<vmem>>)
        tpu.yield
      }) : () -> ()
      "tpu.region"() ({
        %run_scoped3A = tpu.sem_alloc : memref<!tpu.dma_semaphore, #tpu.memory_space<semaphore_mem>>
        %dma_start3A_29 = tpu.memref_slice %arg3[%add3A_12] : memref<16384xi32, #tpu.memory_space<hbm>> -> memref<128xi32, #tpu.memory_space<hbm>>
        %dma_start3A_30 = tpu.memref_slice %arg3[%add3A_12] : memref<16384xi32, #tpu.memory_space<hbm>> -> memref<128xi32, #tpu.memory_space<hbm>>
        tpu.enqueue_dma source(%dma_start3A_30 : memref<128xi32, #tpu.memory_space<hbm>>) target(%arg9 : memref<128xi32, #tpu.memory_space<vmem>>) target_semaphore(%run_scoped3A : memref<!tpu.dma_semaphore, #tpu.memory_space<semaphore_mem>>)
        %dma_wait3A_31 = tpu.memref_slice %arg3[%add3A_12] : memref<16384xi32, #tpu.memory_space<hbm>> -> memref<128xi32, #tpu.memory_space<hbm>>
        %dma_wait3A_32 = tpu.memref_slice %arg3[%add3A_12] : memref<16384xi32, #tpu.memory_space<hbm>> -> memref<128xi32, #tpu.memory_space<hbm>>
        tpu.wait_dma2 semaphore(%run_scoped3A : memref<!tpu.dma_semaphore, #tpu.memory_space<semaphore_mem>>) src(%dma_wait3A_32 : memref<128xi32, #tpu.memory_space<hbm>>) dst(%arg9 : memref<128xi32, #tpu.memory_space<vmem>>)
        tpu.yield
      }) : () -> ()
      "tpu.region"() ({
        %run_scoped3A = tpu.sem_alloc : memref<!tpu.dma_semaphore, #tpu.memory_space<semaphore_mem>>
        %dma_start3A_29 = tpu.memref_slice %arg4[%add3A_12] : memref<16384xi32, #tpu.memory_space<hbm>> -> memref<128xi32, #tpu.memory_space<hbm>>
        %dma_start3A_30 = tpu.memref_slice %arg4[%add3A_12] : memref<16384xi32, #tpu.memory_space<hbm>> -> memref<128xi32, #tpu.memory_space<hbm>>
        tpu.enqueue_dma source(%dma_start3A_30 : memref<128xi32, #tpu.memory_space<hbm>>) target(%arg10 : memref<128xi32, #tpu.memory_space<vmem>>) target_semaphore(%run_scoped3A : memref<!tpu.dma_semaphore, #tpu.memory_space<semaphore_mem>>)
        %dma_wait3A_31 = tpu.memref_slice %arg4[%add3A_12] : memref<16384xi32, #tpu.memory_space<hbm>> -> memref<128xi32, #tpu.memory_space<hbm>>
        %dma_wait3A_32 = tpu.memref_slice %arg4[%add3A_12] : memref<16384xi32, #tpu.memory_space<hbm>> -> memref<128xi32, #tpu.memory_space<hbm>>
        tpu.wait_dma2 semaphore(%run_scoped3A : memref<!tpu.dma_semaphore, #tpu.memory_space<semaphore_mem>>) src(%dma_wait3A_32 : memref<128xi32, #tpu.memory_space<hbm>>) dst(%arg10 : memref<128xi32, #tpu.memory_space<vmem>>)
        tpu.yield
      }) : () -> ()
      "tpu.region"() ({
        %run_scoped3A = tpu.sem_alloc : memref<!tpu.dma_semaphore, #tpu.memory_space<semaphore_mem>>
        %dma_start3A_29 = tpu.memref_slice %arg5[%add3A_12] : memref<16384xi32, #tpu.memory_space<hbm>> -> memref<128xi32, #tpu.memory_space<hbm>>
        %dma_start3A_30 = tpu.memref_slice %arg5[%add3A_12] : memref<16384xi32, #tpu.memory_space<hbm>> -> memref<128xi32, #tpu.memory_space<hbm>>
        tpu.enqueue_dma source(%dma_start3A_30 : memref<128xi32, #tpu.memory_space<hbm>>) target(%arg11 : memref<128xi32, #tpu.memory_space<vmem>>) target_semaphore(%run_scoped3A : memref<!tpu.dma_semaphore, #tpu.memory_space<semaphore_mem>>)
        %dma_wait3A_31 = tpu.memref_slice %arg5[%add3A_12] : memref<16384xi32, #tpu.memory_space<hbm>> -> memref<128xi32, #tpu.memory_space<hbm>>
        %dma_wait3A_32 = tpu.memref_slice %arg5[%add3A_12] : memref<16384xi32, #tpu.memory_space<hbm>> -> memref<128xi32, #tpu.memory_space<hbm>>
        tpu.wait_dma2 semaphore(%run_scoped3A : memref<!tpu.dma_semaphore, #tpu.memory_space<semaphore_mem>>) src(%dma_wait3A_32 : memref<128xi32, #tpu.memory_space<hbm>>) dst(%arg11 : memref<128xi32, #tpu.memory_space<vmem>>)
        tpu.yield
      }) : () -> ()
      %dma_start3A = arith.constant 0 : i32
      %dma_start3A_13 = arith.constant 0 : i32
      %dma_start3A_14 = tpu.memref_slice %arg6[%dma_start3A, %dma_start3A_13] : memref<500000x128xf32, #tpu.memory_space<hbm>> -> memref<500000x128xf32, #tpu.memory_space<hbm>>
      tpu.enqueue_indirect_dma source(%dma_start3A_14 : memref<500000x128xf32, #tpu.memory_space<hbm>>) target(%arg12 : memref<128x128xf32, #tpu.memory_space<vmem>>) offsets(%arg8 : memref<128xi32, #tpu.memory_space<vmem>>) semaphore(%arg15 : memref<!tpu.dma_semaphore, #tpu.memory_space<semaphore_mem>>)
      %dma_start3A_15 = arith.constant 0 : i32
      %dma_start3A_16 = arith.constant 0 : i32
      %dma_start3A_17 = tpu.memref_slice %arg6[%dma_start3A_15, %dma_start3A_16] : memref<500000x128xf32, #tpu.memory_space<hbm>> -> memref<500000x128xf32, #tpu.memory_space<hbm>>
      tpu.enqueue_indirect_dma source(%dma_start3A_17 : memref<500000x128xf32, #tpu.memory_space<hbm>>) target(%arg13 : memref<128x128xf32, #tpu.memory_space<vmem>>) offsets(%arg9 : memref<128xi32, #tpu.memory_space<vmem>>) semaphore(%arg16 : memref<!tpu.dma_semaphore, #tpu.memory_space<semaphore_mem>>)
      %dma_wait3A = arith.constant 0 : i32
      %dma_wait3A_18 = arith.constant 0 : i32
      %dma_wait3A_19 = tpu.memref_slice %arg6[%dma_wait3A, %dma_wait3A_18] : memref<500000x128xf32, #tpu.memory_space<hbm>> -> memref<500000x128xf32, #tpu.memory_space<hbm>>
      tpu.wait_indirect_dma semaphore(%arg15 : memref<!tpu.dma_semaphore, #tpu.memory_space<semaphore_mem>>) src(%dma_wait3A_19 : memref<500000x128xf32, #tpu.memory_space<hbm>>) dst(%arg12 : memref<128x128xf32, #tpu.memory_space<vmem>>)
      %dma_wait3A_20 = arith.constant 0 : i32
      %dma_wait3A_21 = arith.constant 0 : i32
      %dma_wait3A_22 = tpu.memref_slice %arg6[%dma_wait3A_20, %dma_wait3A_21] : memref<500000x128xf32, #tpu.memory_space<hbm>> -> memref<500000x128xf32, #tpu.memory_space<hbm>>
      tpu.wait_indirect_dma semaphore(%arg16 : memref<!tpu.dma_semaphore, #tpu.memory_space<semaphore_mem>>) src(%dma_wait3A_22 : memref<500000x128xf32, #tpu.memory_space<hbm>>) dst(%arg13 : memref<128x128xf32, #tpu.memory_space<vmem>>)
      %scan3A_23 = arith.constant 0 : i32
      %scan3A_24 = arith.constant 0 : i32
      %scan3A_25 = arith.constant 8 : i32
      %scan3A_26 = arith.addi %scan3A_24, %scan3A_25 : i32
      %scan3A_27 = arith.constant 1 : i32
      scf.for %scan3A_29 = %scan3A_24 to %scan3A_26 step %scan3A_27  : i32 {
        %mul3A_30 = arith.constant 16 : i32
        %mul3A_31 = arith.muli %scan3A_29, %mul3A_30 : i32
        %add3A_32 = vector.broadcast %mul3A_31 : i32 to vector<16xi32>
        %add3A_33 = arith.addi %add3A_32, %iota3A : vector<16xi32>
        %mul3A_34 = arith.constant 16 : i32
        %mul3A_35 = arith.muli %scan3A_29, %mul3A_34 : i32
        %get3A = arith.index_cast %mul3A_35 : i32 to index
        %get3A_36 = tpu.vector_load %arg10[%get3A] {strides = array<i32>} : memref<128xi32, #tpu.memory_space<vmem>>, vector<16xi32>,
        %mul3A_37 = arith.constant 16 : i32
        %mul3A_38 = arith.muli %scan3A_29, %mul3A_37 : i32
        %get3A_39 = arith.index_cast %mul3A_38 : i32 to index
        %get3A_40 = tpu.vector_load %arg11[%get3A_39] {strides = array<i32>} : memref<128xi32, #tpu.memory_space<vmem>>, vector<16xi32>,
        %broadcast_in_dim3A_41 = arith.constant 0 : i32
        %broadcast_in_dim3A_42 = vector.broadcast %broadcast_in_dim3A_41 : i32 to vector<16xi32>
        %add3A_43 = arith.addi %broadcast_in_dim3A_42, %get3A_36 : vector<16xi32>
        %gather3A = tpu.vector_load_idx %arg12[%add3A_33, %add3A_43] : memref<128x128xf32, #tpu.memory_space<vmem>>[vector<16xi32>, vector<16xi32>], vector<16xf32>,
        %add3A_44 = arith.addi %broadcast_in_dim3A_42, %get3A_40 : vector<16xi32>
        %gather3A_45 = tpu.vector_load_idx %arg13[%add3A_33, %add3A_44] : memref<128x128xf32, #tpu.memory_space<vmem>>[vector<16xi32>, vector<16xi32>], vector<16xf32>,
        %mul3A_46 = arith.mulf %gather3A, %gather3A_45 : vector<16xf32>
        %add3A_47 = arith.addf %broadcast_in_dim3A_3, %mul3A_46 : vector<16xf32>
        %mul3A_48 = arith.mulf %gather3A, %gather3A : vector<16xf32>
        %add3A_49 = arith.addf %broadcast_in_dim3A_3, %mul3A_48 : vector<16xf32>
        %mul3A_50 = arith.mulf %gather3A_45, %gather3A_45 : vector<16xf32>
        %add3A_51 = arith.addf %broadcast_in_dim3A_3, %mul3A_50 : vector<16xf32>
        %broadcast_in_dim3A_52 = arith.constant 1 : i32
        %broadcast_in_dim3A_53 = vector.broadcast %broadcast_in_dim3A_52 : i32 to vector<16xi32>
        %add3A_54 = arith.addi %broadcast_in_dim3A_53, %get3A_36 : vector<16xi32>
        %gather3A_55 = tpu.vector_load_idx %arg12[%add3A_33, %add3A_54] : memref<128x128xf32, #tpu.memory_space<vmem>>[vector<16xi32>, vector<16xi32>], vector<16xf32>,
        %add3A_56 = arith.addi %broadcast_in_dim3A_53, %get3A_40 : vector<16xi32>
        %gather3A_57 = tpu.vector_load_idx %arg13[%add3A_33, %add3A_56] : memref<128x128xf32, #tpu.memory_space<vmem>>[vector<16xi32>, vector<16xi32>], vector<16xf32>,
        %mul3A_58 = arith.mulf %gather3A_55, %gather3A_57 : vector<16xf32>
        %add3A_59 = arith.addf %add3A_47, %mul3A_58 : vector<16xf32>
        %mul3A_60 = arith.mulf %gather3A_55, %gather3A_55 : vector<16xf32>
        %add3A_61 = arith.addf %add3A_49, %mul3A_60 : vector<16xf32>
        %mul3A_62 = arith.mulf %gather3A_57, %gather3A_57 : vector<16xf32>
        %add3A_63 = arith.addf %add3A_51, %mul3A_62 : vector<16xf32>
        %broadcast_in_dim3A_64 = arith.constant 2 : i32
        %broadcast_in_dim3A_65 = vector.broadcast %broadcast_in_dim3A_64 : i32 to vector<16xi32>
        %add3A_66 = arith.addi %broadcast_in_dim3A_65, %get3A_36 : vector<16xi32>
        %gather3A_67 = tpu.vector_load_idx %arg12[%add3A_33, %add3A_66] : memref<128x128xf32, #tpu.memory_space<vmem>>[vector<16xi32>, vector<16xi32>], vector<16xf32>,
        %add3A_68 = arith.addi %broadcast_in_dim3A_65, %get3A_40 : vector<16xi32>
        %gather3A_69 = tpu.vector_load_idx %arg13[%add3A_33, %add3A_68] : memref<128x128xf32, #tpu.memory_space<vmem>>[vector<16xi32>, vector<16xi32>], vector<16xf32>,
        %mul3A_70 = arith.mulf %gather3A_67, %gather3A_69 : vector<16xf32>
        %add3A_71 = arith.addf %add3A_59, %mul3A_70 : vector<16xf32>
        %mul3A_72 = arith.mulf %gather3A_67, %gather3A_67 : vector<16xf32>
        %add3A_73 = arith.addf %add3A_61, %mul3A_72 : vector<16xf32>
        %mul3A_74 = arith.mulf %gather3A_69, %gather3A_69 : vector<16xf32>
        %add3A_75 = arith.addf %add3A_63, %mul3A_74 : vector<16xf32>
        %broadcast_in_dim3A_76 = arith.constant 3 : i32
        %broadcast_in_dim3A_77 = vector.broadcast %broadcast_in_dim3A_76 : i32 to vector<16xi32>
        %add3A_78 = arith.addi %broadcast_in_dim3A_77, %get3A_36 : vector<16xi32>
        %gather3A_79 = tpu.vector_load_idx %arg12[%add3A_33, %add3A_78] : memref<128x128xf32, #tpu.memory_space<vmem>>[vector<16xi32>, vector<16xi32>], vector<16xf32>,
        %add3A_80 = arith.addi %broadcast_in_dim3A_77, %get3A_40 : vector<16xi32>
        %gather3A_81 = tpu.vector_load_idx %arg13[%add3A_33, %add3A_80] : memref<128x128xf32, #tpu.memory_space<vmem>>[vector<16xi32>, vector<16xi32>], vector<16xf32>,
        %mul3A_82 = arith.mulf %gather3A_79, %gather3A_81 : vector<16xf32>
        %add3A_83 = arith.addf %add3A_71, %mul3A_82 : vector<16xf32>
        %mul3A_84 = arith.mulf %gather3A_79, %gather3A_79 : vector<16xf32>
        %add3A_85 = arith.addf %add3A_73, %mul3A_84 : vector<16xf32>
        %mul3A_86 = arith.mulf %gather3A_81, %gather3A_81 : vector<16xf32>
        %add3A_87 = arith.addf %add3A_75, %mul3A_86 : vector<16xf32>
        %broadcast_in_dim3A_88 = arith.constant 4 : i32
        %broadcast_in_dim3A_89 = vector.broadcast %broadcast_in_dim3A_88 : i32 to vector<16xi32>
        %add3A_90 = arith.addi %broadcast_in_dim3A_89, %get3A_36 : vector<16xi32>
        %gather3A_91 = tpu.vector_load_idx %arg12[%add3A_33, %add3A_90] : memref<128x128xf32, #tpu.memory_space<vmem>>[vector<16xi32>, vector<16xi32>], vector<16xf32>,
        %add3A_92 = arith.addi %broadcast_in_dim3A_89, %get3A_40 : vector<16xi32>
        %gather3A_93 = tpu.vector_load_idx %arg13[%add3A_33, %add3A_92] : memref<128x128xf32, #tpu.memory_space<vmem>>[vector<16xi32>, vector<16xi32>], vector<16xf32>,
        %mul3A_94 = arith.mulf %gather3A_91, %gather3A_93 : vector<16xf32>
        %add3A_95 = arith.addf %add3A_83, %mul3A_94 : vector<16xf32>
        %mul3A_96 = arith.mulf %gather3A_91, %gather3A_91 : vector<16xf32>
        %add3A_97 = arith.addf %add3A_85, %mul3A_96 : vector<16xf32>
        %mul3A_98 = arith.mulf %gather3A_93, %gather3A_93 : vector<16xf32>
        %add3A_99 = arith.addf %add3A_87, %mul3A_98 : vector<16xf32>
        %broadcast_in_dim3A_100 = arith.constant 5 : i32
        %broadcast_in_dim3A_101 = vector.broadcast %broadcast_in_dim3A_100 : i32 to vector<16xi32>
        %add3A_102 = arith.addi %broadcast_in_dim3A_101, %get3A_36 : vector<16xi32>
        %gather3A_103 = tpu.vector_load_idx %arg12[%add3A_33, %add3A_102] : memref<128x128xf32, #tpu.memory_space<vmem>>[vector<16xi32>, vector<16xi32>], vector<16xf32>,
        %add3A_104 = arith.addi %broadcast_in_dim3A_101, %get3A_40 : vector<16xi32>
        %gather3A_105 = tpu.vector_load_idx %arg13[%add3A_33, %add3A_104] : memref<128x128xf32, #tpu.memory_space<vmem>>[vector<16xi32>, vector<16xi32>], vector<16xf32>,
        %mul3A_106 = arith.mulf %gather3A_103, %gather3A_105 : vector<16xf32>
        %add3A_107 = arith.addf %add3A_95, %mul3A_106 : vector<16xf32>
        %mul3A_108 = arith.mulf %gather3A_103, %gather3A_103 : vector<16xf32>
        %add3A_109 = arith.addf %add3A_97, %mul3A_108 : vector<16xf32>
        %mul3A_110 = arith.mulf %gather3A_105, %gather3A_105 : vector<16xf32>
        %add3A_111 = arith.addf %add3A_99, %mul3A_110 : vector<16xf32>
        %broadcast_in_dim3A_112 = arith.constant 6 : i32
        %broadcast_in_dim3A_113 = vector.broadcast %broadcast_in_dim3A_112 : i32 to vector<16xi32>
        %add3A_114 = arith.addi %broadcast_in_dim3A_113, %get3A_36 : vector<16xi32>
        %gather3A_115 = tpu.vector_load_idx %arg12[%add3A_33, %add3A_114] : memref<128x128xf32, #tpu.memory_space<vmem>>[vector<16xi32>, vector<16xi32>], vector<16xf32>,
        %add3A_116 = arith.addi %broadcast_in_dim3A_113, %get3A_40 : vector<16xi32>
        %gather3A_117 = tpu.vector_load_idx %arg13[%add3A_33, %add3A_116] : memref<128x128xf32, #tpu.memory_space<vmem>>[vector<16xi32>, vector<16xi32>], vector<16xf32>,
        %mul3A_118 = arith.mulf %gather3A_115, %gather3A_117 : vector<16xf32>
        %add3A_119 = arith.addf %add3A_107, %mul3A_118 : vector<16xf32>
        %mul3A_120 = arith.mulf %gather3A_115, %gather3A_115 : vector<16xf32>
        %add3A_121 = arith.addf %add3A_109, %mul3A_120 : vector<16xf32>
        %mul3A_122 = arith.mulf %gather3A_117, %gather3A_117 : vector<16xf32>
        %add3A_123 = arith.addf %add3A_111, %mul3A_122 : vector<16xf32>
        %broadcast_in_dim3A_124 = arith.constant 7 : i32
        %broadcast_in_dim3A_125 = vector.broadcast %broadcast_in_dim3A_124 : i32 to vector<16xi32>
        %add3A_126 = arith.addi %broadcast_in_dim3A_125, %get3A_36 : vector<16xi32>
        %gather3A_127 = tpu.vector_load_idx %arg12[%add3A_33, %add3A_126] : memref<128x128xf32, #tpu.memory_space<vmem>>[vector<16xi32>, vector<16xi32>], vector<16xf32>,
        %add3A_128 = arith.addi %broadcast_in_dim3A_125, %get3A_40 : vector<16xi32>
        %gather3A_129 = tpu.vector_load_idx %arg13[%add3A_33, %add3A_128] : memref<128x128xf32, #tpu.memory_space<vmem>>[vector<16xi32>, vector<16xi32>], vector<16xf32>,
        %mul3A_130 = arith.mulf %gather3A_127, %gather3A_129 : vector<16xf32>
        %add3A_131 = arith.addf %add3A_119, %mul3A_130 : vector<16xf32>
        %mul3A_132 = arith.mulf %gather3A_127, %gather3A_127 : vector<16xf32>
        %add3A_133 = arith.addf %add3A_121, %mul3A_132 : vector<16xf32>
        %mul3A_134 = arith.mulf %gather3A_129, %gather3A_129 : vector<16xf32>
        %add3A_135 = arith.addf %add3A_123, %mul3A_134 : vector<16xf32>
        %broadcast_in_dim3A_136 = arith.constant 8 : i32
        %broadcast_in_dim3A_137 = vector.broadcast %broadcast_in_dim3A_136 : i32 to vector<16xi32>
        %add3A_138 = arith.addi %broadcast_in_dim3A_137, %get3A_36 : vector<16xi32>
        %gather3A_139 = tpu.vector_load_idx %arg12[%add3A_33, %add3A_138] : memref<128x128xf32, #tpu.memory_space<vmem>>[vector<16xi32>, vector<16xi32>], vector<16xf32>,
        %add3A_140 = arith.addi %broadcast_in_dim3A_137, %get3A_40 : vector<16xi32>
        %gather3A_141 = tpu.vector_load_idx %arg13[%add3A_33, %add3A_140] : memref<128x128xf32, #tpu.memory_space<vmem>>[vector<16xi32>, vector<16xi32>], vector<16xf32>,
        %mul3A_142 = arith.mulf %gather3A_139, %gather3A_141 : vector<16xf32>
        %add3A_143 = arith.addf %add3A_131, %mul3A_142 : vector<16xf32>
        %mul3A_144 = arith.mulf %gather3A_139, %gather3A_139 : vector<16xf32>
        %add3A_145 = arith.addf %add3A_133, %mul3A_144 : vector<16xf32>
        %mul3A_146 = arith.mulf %gather3A_141, %gather3A_141 : vector<16xf32>
        %add3A_147 = arith.addf %add3A_135, %mul3A_146 : vector<16xf32>
        %broadcast_in_dim3A_148 = arith.constant 9 : i32
        %broadcast_in_dim3A_149 = vector.broadcast %broadcast_in_dim3A_148 : i32 to vector<16xi32>
        %add3A_150 = arith.addi %broadcast_in_dim3A_149, %get3A_36 : vector<16xi32>
        %gather3A_151 = tpu.vector_load_idx %arg12[%add3A_33, %add3A_150] : memref<128x128xf32, #tpu.memory_space<vmem>>[vector<16xi32>, vector<16xi32>], vector<16xf32>,
        %add3A_152 = arith.addi %broadcast_in_dim3A_149, %get3A_40 : vector<16xi32>
        %gather3A_153 = tpu.vector_load_idx %arg13[%add3A_33, %add3A_152] : memref<128x128xf32, #tpu.memory_space<vmem>>[vector<16xi32>, vector<16xi32>], vector<16xf32>,
        %mul3A_154 = arith.mulf %gather3A_151, %gather3A_153 : vector<16xf32>
        %add3A_155 = arith.addf %add3A_143, %mul3A_154 : vector<16xf32>
        %mul3A_156 = arith.mulf %gather3A_151, %gather3A_151 : vector<16xf32>
        %add3A_157 = arith.addf %add3A_145, %mul3A_156 : vector<16xf32>
        %mul3A_158 = arith.mulf %gather3A_153, %gather3A_153 : vector<16xf32>
        %add3A_159 = arith.addf %add3A_147, %mul3A_158 : vector<16xf32>
        %broadcast_in_dim3A_160 = arith.constant 10 : i32
        %broadcast_in_dim3A_161 = vector.broadcast %broadcast_in_dim3A_160 : i32 to vector<16xi32>
        %add3A_162 = arith.addi %broadcast_in_dim3A_161, %get3A_36 : vector<16xi32>
        %gather3A_163 = tpu.vector_load_idx %arg12[%add3A_33, %add3A_162] : memref<128x128xf32, #tpu.memory_space<vmem>>[vector<16xi32>, vector<16xi32>], vector<16xf32>,
        %add3A_164 = arith.addi %broadcast_in_dim3A_161, %get3A_40 : vector<16xi32>
        %gather3A_165 = tpu.vector_load_idx %arg13[%add3A_33, %add3A_164] : memref<128x128xf32, #tpu.memory_space<vmem>>[vector<16xi32>, vector<16xi32>], vector<16xf32>,
        %mul3A_166 = arith.mulf %gather3A_163, %gather3A_165 : vector<16xf32>
        %add3A_167 = arith.addf %add3A_155, %mul3A_166 : vector<16xf32>
        %mul3A_168 = arith.mulf %gather3A_163, %gather3A_163 : vector<16xf32>
        %add3A_169 = arith.addf %add3A_157, %mul3A_168 : vector<16xf32>
        %mul3A_170 = arith.mulf %gather3A_165, %gather3A_165 : vector<16xf32>
        %add3A_171 = arith.addf %add3A_159, %mul3A_170 : vector<16xf32>
        %broadcast_in_dim3A_172 = arith.constant 11 : i32
        %broadcast_in_dim3A_173 = vector.broadcast %broadcast_in_dim3A_172 : i32 to vector<16xi32>
        %add3A_174 = arith.addi %broadcast_in_dim3A_173, %get3A_36 : vector<16xi32>
        %gather3A_175 = tpu.vector_load_idx %arg12[%add3A_33, %add3A_174] : memref<128x128xf32, #tpu.memory_space<vmem>>[vector<16xi32>, vector<16xi32>], vector<16xf32>,
        %add3A_176 = arith.addi %broadcast_in_dim3A_173, %get3A_40 : vector<16xi32>
        %gather3A_177 = tpu.vector_load_idx %arg13[%add3A_33, %add3A_176] : memref<128x128xf32, #tpu.memory_space<vmem>>[vector<16xi32>, vector<16xi32>], vector<16xf32>,
        %mul3A_178 = arith.mulf %gather3A_175, %gather3A_177 : vector<16xf32>
        %add3A_179 = arith.addf %add3A_167, %mul3A_178 : vector<16xf32>
        %mul3A_180 = arith.mulf %gather3A_175, %gather3A_175 : vector<16xf32>
        %add3A_181 = arith.addf %add3A_169, %mul3A_180 : vector<16xf32>
        %mul3A_182 = arith.mulf %gather3A_177, %gather3A_177 : vector<16xf32>
        %add3A_183 = arith.addf %add3A_171, %mul3A_182 : vector<16xf32>
        %broadcast_in_dim3A_184 = arith.constant 12 : i32
        %broadcast_in_dim3A_185 = vector.broadcast %broadcast_in_dim3A_184 : i32 to vector<16xi32>
        %add3A_186 = arith.addi %broadcast_in_dim3A_185, %get3A_36 : vector<16xi32>
        %gather3A_187 = tpu.vector_load_idx %arg12[%add3A_33, %add3A_186] : memref<128x128xf32, #tpu.memory_space<vmem>>[vector<16xi32>, vector<16xi32>], vector<16xf32>,
        %add3A_188 = arith.addi %broadcast_in_dim3A_185, %get3A_40 : vector<16xi32>
        %gather3A_189 = tpu.vector_load_idx %arg13[%add3A_33, %add3A_188] : memref<128x128xf32, #tpu.memory_space<vmem>>[vector<16xi32>, vector<16xi32>], vector<16xf32>,
        %mul3A_190 = arith.mulf %gather3A_187, %gather3A_189 : vector<16xf32>
        %add3A_191 = arith.addf %add3A_179, %mul3A_190 : vector<16xf32>
        %mul3A_192 = arith.mulf %gather3A_187, %gather3A_187 : vector<16xf32>
        %add3A_193 = arith.addf %add3A_181, %mul3A_192 : vector<16xf32>
        %mul3A_194 = arith.mulf %gather3A_189, %gather3A_189 : vector<16xf32>
        %add3A_195 = arith.addf %add3A_183, %mul3A_194 : vector<16xf32>
        %broadcast_in_dim3A_196 = arith.constant 13 : i32
        %broadcast_in_dim3A_197 = vector.broadcast %broadcast_in_dim3A_196 : i32 to vector<16xi32>
        %add3A_198 = arith.addi %broadcast_in_dim3A_197, %get3A_36 : vector<16xi32>
        %gather3A_199 = tpu.vector_load_idx %arg12[%add3A_33, %add3A_198] : memref<128x128xf32, #tpu.memory_space<vmem>>[vector<16xi32>, vector<16xi32>], vector<16xf32>,
        %add3A_200 = arith.addi %broadcast_in_dim3A_197, %get3A_40 : vector<16xi32>
        %gather3A_201 = tpu.vector_load_idx %arg13[%add3A_33, %add3A_200] : memref<128x128xf32, #tpu.memory_space<vmem>>[vector<16xi32>, vector<16xi32>], vector<16xf32>,
        %mul3A_202 = arith.mulf %gather3A_199, %gather3A_201 : vector<16xf32>
        %add3A_203 = arith.addf %add3A_191, %mul3A_202 : vector<16xf32>
        %mul3A_204 = arith.mulf %gather3A_199, %gather3A_199 : vector<16xf32>
        %add3A_205 = arith.addf %add3A_193, %mul3A_204 : vector<16xf32>
        %mul3A_206 = arith.mulf %gather3A_201, %gather3A_201 : vector<16xf32>
        %add3A_207 = arith.addf %add3A_195, %mul3A_206 : vector<16xf32>
        %broadcast_in_dim3A_208 = arith.constant 14 : i32
        %broadcast_in_dim3A_209 = vector.broadcast %broadcast_in_dim3A_208 : i32 to vector<16xi32>
        %add3A_210 = arith.addi %broadcast_in_dim3A_209, %get3A_36 : vector<16xi32>
        %gather3A_211 = tpu.vector_load_idx %arg12[%add3A_33, %add3A_210] : memref<128x128xf32, #tpu.memory_space<vmem>>[vector<16xi32>, vector<16xi32>], vector<16xf32>,
        %add3A_212 = arith.addi %broadcast_in_dim3A_209, %get3A_40 : vector<16xi32>
        %gather3A_213 = tpu.vector_load_idx %arg13[%add3A_33, %add3A_212] : memref<128x128xf32, #tpu.memory_space<vmem>>[vector<16xi32>, vector<16xi32>], vector<16xf32>,
        %mul3A_214 = arith.mulf %gather3A_211, %gather3A_213 : vector<16xf32>
        %add3A_215 = arith.addf %add3A_203, %mul3A_214 : vector<16xf32>
        %mul3A_216 = arith.mulf %gather3A_211, %gather3A_211 : vector<16xf32>
        %add3A_217 = arith.addf %add3A_205, %mul3A_216 : vector<16xf32>
        %mul3A_218 = arith.mulf %gather3A_213, %gather3A_213 : vector<16xf32>
        %add3A_219 = arith.addf %add3A_207, %mul3A_218 : vector<16xf32>
        %broadcast_in_dim3A_220 = arith.constant 15 : i32
        %broadcast_in_dim3A_221 = vector.broadcast %broadcast_in_dim3A_220 : i32 to vector<16xi32>
        %add3A_222 = arith.addi %broadcast_in_dim3A_221, %get3A_36 : vector<16xi32>
        %gather3A_223 = tpu.vector_load_idx %arg12[%add3A_33, %add3A_222] : memref<128x128xf32, #tpu.memory_space<vmem>>[vector<16xi32>, vector<16xi32>], vector<16xf32>,
        %add3A_224 = arith.addi %broadcast_in_dim3A_221, %get3A_40 : vector<16xi32>
        %gather3A_225 = tpu.vector_load_idx %arg13[%add3A_33, %add3A_224] : memref<128x128xf32, #tpu.memory_space<vmem>>[vector<16xi32>, vector<16xi32>], vector<16xf32>,
        %mul3A_226 = arith.mulf %gather3A_223, %gather3A_225 : vector<16xf32>
        %add3A_227 = arith.addf %add3A_215, %mul3A_226 : vector<16xf32>
        %mul3A_228 = arith.mulf %gather3A_223, %gather3A_223 : vector<16xf32>
        %add3A_229 = arith.addf %add3A_217, %mul3A_228 : vector<16xf32>
        %mul3A_230 = arith.mulf %gather3A_225, %gather3A_225 : vector<16xf32>
        %add3A_231 = arith.addf %add3A_219, %mul3A_230 : vector<16xf32>
        %broadcast_in_dim3A_232 = arith.constant 16 : i32
        %broadcast_in_dim3A_233 = vector.broadcast %broadcast_in_dim3A_232 : i32 to vector<16xi32>
        %add3A_234 = arith.addi %broadcast_in_dim3A_233, %get3A_36 : vector<16xi32>
        %gather3A_235 = tpu.vector_load_idx %arg12[%add3A_33, %add3A_234] : memref<128x128xf32, #tpu.memory_space<vmem>>[vector<16xi32>, vector<16xi32>], vector<16xf32>,
        %add3A_236 = arith.addi %broadcast_in_dim3A_233, %get3A_40 : vector<16xi32>
        %gather3A_237 = tpu.vector_load_idx %arg13[%add3A_33, %add3A_236] : memref<128x128xf32, #tpu.memory_space<vmem>>[vector<16xi32>, vector<16xi32>], vector<16xf32>,
        %mul3A_238 = arith.mulf %gather3A_235, %gather3A_237 : vector<16xf32>
        %add3A_239 = arith.addf %add3A_227, %mul3A_238 : vector<16xf32>
        %mul3A_240 = arith.mulf %gather3A_235, %gather3A_235 : vector<16xf32>
        %add3A_241 = arith.addf %add3A_229, %mul3A_240 : vector<16xf32>
        %mul3A_242 = arith.mulf %gather3A_237, %gather3A_237 : vector<16xf32>
        %add3A_243 = arith.addf %add3A_231, %mul3A_242 : vector<16xf32>
        %broadcast_in_dim3A_244 = arith.constant 17 : i32
        %broadcast_in_dim3A_245 = vector.broadcast %broadcast_in_dim3A_244 : i32 to vector<16xi32>
        %add3A_246 = arith.addi %broadcast_in_dim3A_245, %get3A_36 : vector<16xi32>
        %gather3A_247 = tpu.vector_load_idx %arg12[%add3A_33, %add3A_246] : memref<128x128xf32, #tpu.memory_space<vmem>>[vector<16xi32>, vector<16xi32>], vector<16xf32>,
        %add3A_248 = arith.addi %broadcast_in_dim3A_245, %get3A_40 : vector<16xi32>
        %gather3A_249 = tpu.vector_load_idx %arg13[%add3A_33, %add3A_248] : memref<128x128xf32, #tpu.memory_space<vmem>>[vector<16xi32>, vector<16xi32>], vector<16xf32>,
        %mul3A_250 = arith.mulf %gather3A_247, %gather3A_249 : vector<16xf32>
        %add3A_251 = arith.addf %add3A_239, %mul3A_250 : vector<16xf32>
        %mul3A_252 = arith.mulf %gather3A_247, %gather3A_247 : vector<16xf32>
        %add3A_253 = arith.addf %add3A_241, %mul3A_252 : vector<16xf32>
        %mul3A_254 = arith.mulf %gather3A_249, %gather3A_249 : vector<16xf32>
        %add3A_255 = arith.addf %add3A_243, %mul3A_254 : vector<16xf32>
        %broadcast_in_dim3A_256 = arith.constant 18 : i32
        %broadcast_in_dim3A_257 = vector.broadcast %broadcast_in_dim3A_256 : i32 to vector<16xi32>
        %add3A_258 = arith.addi %broadcast_in_dim3A_257, %get3A_36 : vector<16xi32>
        %gather3A_259 = tpu.vector_load_idx %arg12[%add3A_33, %add3A_258] : memref<128x128xf32, #tpu.memory_space<vmem>>[vector<16xi32>, vector<16xi32>], vector<16xf32>,
        %add3A_260 = arith.addi %broadcast_in_dim3A_257, %get3A_40 : vector<16xi32>
        %gather3A_261 = tpu.vector_load_idx %arg13[%add3A_33, %add3A_260] : memref<128x128xf32, #tpu.memory_space<vmem>>[vector<16xi32>, vector<16xi32>], vector<16xf32>,
        %mul3A_262 = arith.mulf %gather3A_259, %gather3A_261 : vector<16xf32>
        %add3A_263 = arith.addf %add3A_251, %mul3A_262 : vector<16xf32>
        %mul3A_264 = arith.mulf %gather3A_259, %gather3A_259 : vector<16xf32>
        %add3A_265 = arith.addf %add3A_253, %mul3A_264 : vector<16xf32>
        %mul3A_266 = arith.mulf %gather3A_261, %gather3A_261 : vector<16xf32>
        %add3A_267 = arith.addf %add3A_255, %mul3A_266 : vector<16xf32>
        %broadcast_in_dim3A_268 = arith.constant 19 : i32
        %broadcast_in_dim3A_269 = vector.broadcast %broadcast_in_dim3A_268 : i32 to vector<16xi32>
        %add3A_270 = arith.addi %broadcast_in_dim3A_269, %get3A_36 : vector<16xi32>
        %gather3A_271 = tpu.vector_load_idx %arg12[%add3A_33, %add3A_270] : memref<128x128xf32, #tpu.memory_space<vmem>>[vector<16xi32>, vector<16xi32>], vector<16xf32>,
        %add3A_272 = arith.addi %broadcast_in_dim3A_269, %get3A_40 : vector<16xi32>
        %gather3A_273 = tpu.vector_load_idx %arg13[%add3A_33, %add3A_272] : memref<128x128xf32, #tpu.memory_space<vmem>>[vector<16xi32>, vector<16xi32>], vector<16xf32>,
        %mul3A_274 = arith.mulf %gather3A_271, %gather3A_273 : vector<16xf32>
        %add3A_275 = arith.addf %add3A_263, %mul3A_274 : vector<16xf32>
        %mul3A_276 = arith.mulf %gather3A_271, %gather3A_271 : vector<16xf32>
        %add3A_277 = arith.addf %add3A_265, %mul3A_276 : vector<16xf32>
        %mul3A_278 = arith.mulf %gather3A_273, %gather3A_273 : vector<16xf32>
        %add3A_279 = arith.addf %add3A_267, %mul3A_278 : vector<16xf32>
        %broadcast_in_dim3A_280 = arith.constant 20 : i32
        %broadcast_in_dim3A_281 = vector.broadcast %broadcast_in_dim3A_280 : i32 to vector<16xi32>
        %add3A_282 = arith.addi %broadcast_in_dim3A_281, %get3A_36 : vector<16xi32>
        %gather3A_283 = tpu.vector_load_idx %arg12[%add3A_33, %add3A_282] : memref<128x128xf32, #tpu.memory_space<vmem>>[vector<16xi32>, vector<16xi32>], vector<16xf32>,
        %add3A_284 = arith.addi %broadcast_in_dim3A_281, %get3A_40 : vector<16xi32>
        %gather3A_285 = tpu.vector_load_idx %arg13[%add3A_33, %add3A_284] : memref<128x128xf32, #tpu.memory_space<vmem>>[vector<16xi32>, vector<16xi32>], vector<16xf32>,
        %mul3A_286 = arith.mulf %gather3A_283, %gather3A_285 : vector<16xf32>
        %add3A_287 = arith.addf %add3A_275, %mul3A_286 : vector<16xf32>
        %mul3A_288 = arith.mulf %gather3A_283, %gather3A_283 : vector<16xf32>
        %add3A_289 = arith.addf %add3A_277, %mul3A_288 : vector<16xf32>
        %mul3A_290 = arith.mulf %gather3A_285, %gather3A_285 : vector<16xf32>
        %add3A_291 = arith.addf %add3A_279, %mul3A_290 : vector<16xf32>
        %broadcast_in_dim3A_292 = arith.constant 21 : i32
        %broadcast_in_dim3A_293 = vector.broadcast %broadcast_in_dim3A_292 : i32 to vector<16xi32>
        %add3A_294 = arith.addi %broadcast_in_dim3A_293, %get3A_36 : vector<16xi32>
        %gather3A_295 = tpu.vector_load_idx %arg12[%add3A_33, %add3A_294] : memref<128x128xf32, #tpu.memory_space<vmem>>[vector<16xi32>, vector<16xi32>], vector<16xf32>,
        %add3A_296 = arith.addi %broadcast_in_dim3A_293, %get3A_40 : vector<16xi32>
        %gather3A_297 = tpu.vector_load_idx %arg13[%add3A_33, %add3A_296] : memref<128x128xf32, #tpu.memory_space<vmem>>[vector<16xi32>, vector<16xi32>], vector<16xf32>,
        %mul3A_298 = arith.mulf %gather3A_295, %gather3A_297 : vector<16xf32>
        %add3A_299 = arith.addf %add3A_287, %mul3A_298 : vector<16xf32>
        %mul3A_300 = arith.mulf %gather3A_295, %gather3A_295 : vector<16xf32>
        %add3A_301 = arith.addf %add3A_289, %mul3A_300 : vector<16xf32>
        %mul3A_302 = arith.mulf %gather3A_297, %gather3A_297 : vector<16xf32>
        %add3A_303 = arith.addf %add3A_291, %mul3A_302 : vector<16xf32>
        %broadcast_in_dim3A_304 = arith.constant 22 : i32
        %broadcast_in_dim3A_305 = vector.broadcast %broadcast_in_dim3A_304 : i32 to vector<16xi32>
        %add3A_306 = arith.addi %broadcast_in_dim3A_305, %get3A_36 : vector<16xi32>
        %gather3A_307 = tpu.vector_load_idx %arg12[%add3A_33, %add3A_306] : memref<128x128xf32, #tpu.memory_space<vmem>>[vector<16xi32>, vector<16xi32>], vector<16xf32>,
        %add3A_308 = arith.addi %broadcast_in_dim3A_305, %get3A_40 : vector<16xi32>
        %gather3A_309 = tpu.vector_load_idx %arg13[%add3A_33, %add3A_308] : memref<128x128xf32, #tpu.memory_space<vmem>>[vector<16xi32>, vector<16xi32>], vector<16xf32>,
        %mul3A_310 = arith.mulf %gather3A_307, %gather3A_309 : vector<16xf32>
        %add3A_311 = arith.addf %add3A_299, %mul3A_310 : vector<16xf32>
        %mul3A_312 = arith.mulf %gather3A_307, %gather3A_307 : vector<16xf32>
        %add3A_313 = arith.addf %add3A_301, %mul3A_312 : vector<16xf32>
        %mul3A_314 = arith.mulf %gather3A_309, %gather3A_309 : vector<16xf32>
        %add3A_315 = arith.addf %add3A_303, %mul3A_314 : vector<16xf32>
        %broadcast_in_dim3A_316 = arith.constant 23 : i32
        %broadcast_in_dim3A_317 = vector.broadcast %broadcast_in_dim3A_316 : i32 to vector<16xi32>
        %add3A_318 = arith.addi %broadcast_in_dim3A_317, %get3A_36 : vector<16xi32>
        %gather3A_319 = tpu.vector_load_idx %arg12[%add3A_33, %add3A_318] : memref<128x128xf32, #tpu.memory_space<vmem>>[vector<16xi32>, vector<16xi32>], vector<16xf32>,
        %add3A_320 = arith.addi %broadcast_in_dim3A_317, %get3A_40 : vector<16xi32>
        %gather3A_321 = tpu.vector_load_idx %arg13[%add3A_33, %add3A_320] : memref<128x128xf32, #tpu.memory_space<vmem>>[vector<16xi32>, vector<16xi32>], vector<16xf32>,
        %mul3A_322 = arith.mulf %gather3A_319, %gather3A_321 : vector<16xf32>
        %add3A_323 = arith.addf %add3A_311, %mul3A_322 : vector<16xf32>
        %mul3A_324 = arith.mulf %gather3A_319, %gather3A_319 : vector<16xf32>
        %add3A_325 = arith.addf %add3A_313, %mul3A_324 : vector<16xf32>
        %mul3A_326 = arith.mulf %gather3A_321, %gather3A_321 : vector<16xf32>
        %add3A_327 = arith.addf %add3A_315, %mul3A_326 : vector<16xf32>
        %broadcast_in_dim3A_328 = arith.constant 24 : i32
        %broadcast_in_dim3A_329 = vector.broadcast %broadcast_in_dim3A_328 : i32 to vector<16xi32>
        %add3A_330 = arith.addi %broadcast_in_dim3A_329, %get3A_36 : vector<16xi32>
        %gather3A_331 = tpu.vector_load_idx %arg12[%add3A_33, %add3A_330] : memref<128x128xf32, #tpu.memory_space<vmem>>[vector<16xi32>, vector<16xi32>], vector<16xf32>,
        %add3A_332 = arith.addi %broadcast_in_dim3A_329, %get3A_40 : vector<16xi32>
        %gather3A_333 = tpu.vector_load_idx %arg13[%add3A_33, %add3A_332] : memref<128x128xf32, #tpu.memory_space<vmem>>[vector<16xi32>, vector<16xi32>], vector<16xf32>,
        %mul3A_334 = arith.mulf %gather3A_331, %gather3A_333 : vector<16xf32>
        %add3A_335 = arith.addf %add3A_323, %mul3A_334 : vector<16xf32>
        %mul3A_336 = arith.mulf %gather3A_331, %gather3A_331 : vector<16xf32>
        %add3A_337 = arith.addf %add3A_325, %mul3A_336 : vector<16xf32>
        %mul3A_338 = arith.mulf %gather3A_333, %gather3A_333 : vector<16xf32>
        %add3A_339 = arith.addf %add3A_327, %mul3A_338 : vector<16xf32>
        %broadcast_in_dim3A_340 = arith.constant 25 : i32
        %broadcast_in_dim3A_341 = vector.broadcast %broadcast_in_dim3A_340 : i32 to vector<16xi32>
        %add3A_342 = arith.addi %broadcast_in_dim3A_341, %get3A_36 : vector<16xi32>
        %gather3A_343 = tpu.vector_load_idx %arg12[%add3A_33, %add3A_342] : memref<128x128xf32, #tpu.memory_space<vmem>>[vector<16xi32>, vector<16xi32>], vector<16xf32>,
        %add3A_344 = arith.addi %broadcast_in_dim3A_341, %get3A_40 : vector<16xi32>
        %gather3A_345 = tpu.vector_load_idx %arg13[%add3A_33, %add3A_344] : memref<128x128xf32, #tpu.memory_space<vmem>>[vector<16xi32>, vector<16xi32>], vector<16xf32>,
        %mul3A_346 = arith.mulf %gather3A_343, %gather3A_345 : vector<16xf32>
        %add3A_347 = arith.addf %add3A_335, %mul3A_346 : vector<16xf32>
        %mul3A_348 = arith.mulf %gather3A_343, %gather3A_343 : vector<16xf32>
        %add3A_349 = arith.addf %add3A_337, %mul3A_348 : vector<16xf32>
        %mul3A_350 = arith.mulf %gather3A_345, %gather3A_345 : vector<16xf32>
        %add3A_351 = arith.addf %add3A_339, %mul3A_350 : vector<16xf32>
        %broadcast_in_dim3A_352 = arith.constant 26 : i32
        %broadcast_in_dim3A_353 = vector.broadcast %broadcast_in_dim3A_352 : i32 to vector<16xi32>
        %add3A_354 = arith.addi %broadcast_in_dim3A_353, %get3A_36 : vector<16xi32>
        %gather3A_355 = tpu.vector_load_idx %arg12[%add3A_33, %add3A_354] : memref<128x128xf32, #tpu.memory_space<vmem>>[vector<16xi32>, vector<16xi32>], vector<16xf32>,
        %add3A_356 = arith.addi %broadcast_in_dim3A_353, %get3A_40 : vector<16xi32>
        %gather3A_357 = tpu.vector_load_idx %arg13[%add3A_33, %add3A_356] : memref<128x128xf32, #tpu.memory_space<vmem>>[vector<16xi32>, vector<16xi32>], vector<16xf32>,
        %mul3A_358 = arith.mulf %gather3A_355, %gather3A_357 : vector<16xf32>
        %add3A_359 = arith.addf %add3A_347, %mul3A_358 : vector<16xf32>
        %mul3A_360 = arith.mulf %gather3A_355, %gather3A_355 : vector<16xf32>
        %add3A_361 = arith.addf %add3A_349, %mul3A_360 : vector<16xf32>
        %mul3A_362 = arith.mulf %gather3A_357, %gather3A_357 : vector<16xf32>
        %add3A_363 = arith.addf %add3A_351, %mul3A_362 : vector<16xf32>
        %broadcast_in_dim3A_364 = arith.constant 27 : i32
        %broadcast_in_dim3A_365 = vector.broadcast %broadcast_in_dim3A_364 : i32 to vector<16xi32>
        %add3A_366 = arith.addi %broadcast_in_dim3A_365, %get3A_36 : vector<16xi32>
        %gather3A_367 = tpu.vector_load_idx %arg12[%add3A_33, %add3A_366] : memref<128x128xf32, #tpu.memory_space<vmem>>[vector<16xi32>, vector<16xi32>], vector<16xf32>,
        %add3A_368 = arith.addi %broadcast_in_dim3A_365, %get3A_40 : vector<16xi32>
        %gather3A_369 = tpu.vector_load_idx %arg13[%add3A_33, %add3A_368] : memref<128x128xf32, #tpu.memory_space<vmem>>[vector<16xi32>, vector<16xi32>], vector<16xf32>,
        %mul3A_370 = arith.mulf %gather3A_367, %gather3A_369 : vector<16xf32>
        %add3A_371 = arith.addf %add3A_359, %mul3A_370 : vector<16xf32>
        %mul3A_372 = arith.mulf %gather3A_367, %gather3A_367 : vector<16xf32>
        %add3A_373 = arith.addf %add3A_361, %mul3A_372 : vector<16xf32>
        %mul3A_374 = arith.mulf %gather3A_369, %gather3A_369 : vector<16xf32>
        %add3A_375 = arith.addf %add3A_363, %mul3A_374 : vector<16xf32>
        %broadcast_in_dim3A_376 = arith.constant 28 : i32
        %broadcast_in_dim3A_377 = vector.broadcast %broadcast_in_dim3A_376 : i32 to vector<16xi32>
        %add3A_378 = arith.addi %broadcast_in_dim3A_377, %get3A_36 : vector<16xi32>
        %gather3A_379 = tpu.vector_load_idx %arg12[%add3A_33, %add3A_378] : memref<128x128xf32, #tpu.memory_space<vmem>>[vector<16xi32>, vector<16xi32>], vector<16xf32>,
        %add3A_380 = arith.addi %broadcast_in_dim3A_377, %get3A_40 : vector<16xi32>
        %gather3A_381 = tpu.vector_load_idx %arg13[%add3A_33, %add3A_380] : memref<128x128xf32, #tpu.memory_space<vmem>>[vector<16xi32>, vector<16xi32>], vector<16xf32>,
        %mul3A_382 = arith.mulf %gather3A_379, %gather3A_381 : vector<16xf32>
        %add3A_383 = arith.addf %add3A_371, %mul3A_382 : vector<16xf32>
        %mul3A_384 = arith.mulf %gather3A_379, %gather3A_379 : vector<16xf32>
        %add3A_385 = arith.addf %add3A_373, %mul3A_384 : vector<16xf32>
        %mul3A_386 = arith.mulf %gather3A_381, %gather3A_381 : vector<16xf32>
        %add3A_387 = arith.addf %add3A_375, %mul3A_386 : vector<16xf32>
        %broadcast_in_dim3A_388 = arith.constant 29 : i32
        %broadcast_in_dim3A_389 = vector.broadcast %broadcast_in_dim3A_388 : i32 to vector<16xi32>
        %add3A_390 = arith.addi %broadcast_in_dim3A_389, %get3A_36 : vector<16xi32>
        %gather3A_391 = tpu.vector_load_idx %arg12[%add3A_33, %add3A_390] : memref<128x128xf32, #tpu.memory_space<vmem>>[vector<16xi32>, vector<16xi32>], vector<16xf32>,
        %add3A_392 = arith.addi %broadcast_in_dim3A_389, %get3A_40 : vector<16xi32>
        %gather3A_393 = tpu.vector_load_idx %arg13[%add3A_33, %add3A_392] : memref<128x128xf32, #tpu.memory_space<vmem>>[vector<16xi32>, vector<16xi32>], vector<16xf32>,
        %mul3A_394 = arith.mulf %gather3A_391, %gather3A_393 : vector<16xf32>
        %add3A_395 = arith.addf %add3A_383, %mul3A_394 : vector<16xf32>
        %mul3A_396 = arith.mulf %gather3A_391, %gather3A_391 : vector<16xf32>
        %add3A_397 = arith.addf %add3A_385, %mul3A_396 : vector<16xf32>
        %mul3A_398 = arith.mulf %gather3A_393, %gather3A_393 : vector<16xf32>
        %add3A_399 = arith.addf %add3A_387, %mul3A_398 : vector<16xf32>
        %broadcast_in_dim3A_400 = arith.constant 30 : i32
        %broadcast_in_dim3A_401 = vector.broadcast %broadcast_in_dim3A_400 : i32 to vector<16xi32>
        %add3A_402 = arith.addi %broadcast_in_dim3A_401, %get3A_36 : vector<16xi32>
        %gather3A_403 = tpu.vector_load_idx %arg12[%add3A_33, %add3A_402] : memref<128x128xf32, #tpu.memory_space<vmem>>[vector<16xi32>, vector<16xi32>], vector<16xf32>,
        %add3A_404 = arith.addi %broadcast_in_dim3A_401, %get3A_40 : vector<16xi32>
        %gather3A_405 = tpu.vector_load_idx %arg13[%add3A_33, %add3A_404] : memref<128x128xf32, #tpu.memory_space<vmem>>[vector<16xi32>, vector<16xi32>], vector<16xf32>,
        %mul3A_406 = arith.mulf %gather3A_403, %gather3A_405 : vector<16xf32>
        %add3A_407 = arith.addf %add3A_395, %mul3A_406 : vector<16xf32>
        %mul3A_408 = arith.mulf %gather3A_403, %gather3A_403 : vector<16xf32>
        %add3A_409 = arith.addf %add3A_397, %mul3A_408 : vector<16xf32>
        %mul3A_410 = arith.mulf %gather3A_405, %gather3A_405 : vector<16xf32>
        %add3A_411 = arith.addf %add3A_399, %mul3A_410 : vector<16xf32>
        %broadcast_in_dim3A_412 = arith.constant 31 : i32
        %broadcast_in_dim3A_413 = vector.broadcast %broadcast_in_dim3A_412 : i32 to vector<16xi32>
        %add3A_414 = arith.addi %broadcast_in_dim3A_413, %get3A_36 : vector<16xi32>
        %gather3A_415 = tpu.vector_load_idx %arg12[%add3A_33, %add3A_414] : memref<128x128xf32, #tpu.memory_space<vmem>>[vector<16xi32>, vector<16xi32>], vector<16xf32>,
        %add3A_416 = arith.addi %broadcast_in_dim3A_413, %get3A_40 : vector<16xi32>
        %gather3A_417 = tpu.vector_load_idx %arg13[%add3A_33, %add3A_416] : memref<128x128xf32, #tpu.memory_space<vmem>>[vector<16xi32>, vector<16xi32>], vector<16xf32>,
        %mul3A_418 = arith.mulf %gather3A_415, %gather3A_417 : vector<16xf32>
        %add3A_419 = arith.addf %add3A_407, %mul3A_418 : vector<16xf32>
        %mul3A_420 = arith.mulf %gather3A_415, %gather3A_415 : vector<16xf32>
        %add3A_421 = arith.addf %add3A_409, %mul3A_420 : vector<16xf32>
        %mul3A_422 = arith.mulf %gather3A_417, %gather3A_417 : vector<16xf32>
        %add3A_423 = arith.addf %add3A_411, %mul3A_422 : vector<16xf32>
        %broadcast_in_dim3A_424 = arith.constant 32 : i32
        %broadcast_in_dim3A_425 = vector.broadcast %broadcast_in_dim3A_424 : i32 to vector<16xi32>
        %add3A_426 = arith.addi %broadcast_in_dim3A_425, %get3A_36 : vector<16xi32>
        %gather3A_427 = tpu.vector_load_idx %arg12[%add3A_33, %add3A_426] : memref<128x128xf32, #tpu.memory_space<vmem>>[vector<16xi32>, vector<16xi32>], vector<16xf32>,
        %add3A_428 = arith.addi %broadcast_in_dim3A_425, %get3A_40 : vector<16xi32>
        %gather3A_429 = tpu.vector_load_idx %arg13[%add3A_33, %add3A_428] : memref<128x128xf32, #tpu.memory_space<vmem>>[vector<16xi32>, vector<16xi32>], vector<16xf32>,
        %mul3A_430 = arith.mulf %gather3A_427, %gather3A_429 : vector<16xf32>
        %add3A_431 = arith.addf %add3A_419, %mul3A_430 : vector<16xf32>
        %mul3A_432 = arith.mulf %gather3A_427, %gather3A_427 : vector<16xf32>
        %add3A_433 = arith.addf %add3A_421, %mul3A_432 : vector<16xf32>
        %mul3A_434 = arith.mulf %gather3A_429, %gather3A_429 : vector<16xf32>
        %add3A_435 = arith.addf %add3A_423, %mul3A_434 : vector<16xf32>
        %broadcast_in_dim3A_436 = arith.constant 33 : i32
        %broadcast_in_dim3A_437 = vector.broadcast %broadcast_in_dim3A_436 : i32 to vector<16xi32>
        %add3A_438 = arith.addi %broadcast_in_dim3A_437, %get3A_36 : vector<16xi32>
        %gather3A_439 = tpu.vector_load_idx %arg12[%add3A_33, %add3A_438] : memref<128x128xf32, #tpu.memory_space<vmem>>[vector<16xi32>, vector<16xi32>], vector<16xf32>,
        %add3A_440 = arith.addi %broadcast_in_dim3A_437, %get3A_40 : vector<16xi32>
        %gather3A_441 = tpu.vector_load_idx %arg13[%add3A_33, %add3A_440] : memref<128x128xf32, #tpu.memory_space<vmem>>[vector<16xi32>, vector<16xi32>], vector<16xf32>,
        %mul3A_442 = arith.mulf %gather3A_439, %gather3A_441 : vector<16xf32>
        %add3A_443 = arith.addf %add3A_431, %mul3A_442 : vector<16xf32>
        %mul3A_444 = arith.mulf %gather3A_439, %gather3A_439 : vector<16xf32>
        %add3A_445 = arith.addf %add3A_433, %mul3A_444 : vector<16xf32>
        %mul3A_446 = arith.mulf %gather3A_441, %gather3A_441 : vector<16xf32>
        %add3A_447 = arith.addf %add3A_435, %mul3A_446 : vector<16xf32>
        %broadcast_in_dim3A_448 = arith.constant 34 : i32
        %broadcast_in_dim3A_449 = vector.broadcast %broadcast_in_dim3A_448 : i32 to vector<16xi32>
        %add3A_450 = arith.addi %broadcast_in_dim3A_449, %get3A_36 : vector<16xi32>
        %gather3A_451 = tpu.vector_load_idx %arg12[%add3A_33, %add3A_450] : memref<128x128xf32, #tpu.memory_space<vmem>>[vector<16xi32>, vector<16xi32>], vector<16xf32>,
        %add3A_452 = arith.addi %broadcast_in_dim3A_449, %get3A_40 : vector<16xi32>
        %gather3A_453 = tpu.vector_load_idx %arg13[%add3A_33, %add3A_452] : memref<128x128xf32, #tpu.memory_space<vmem>>[vector<16xi32>, vector<16xi32>], vector<16xf32>,
        %mul3A_454 = arith.mulf %gather3A_451, %gather3A_453 : vector<16xf32>
        %add3A_455 = arith.addf %add3A_443, %mul3A_454 : vector<16xf32>
        %mul3A_456 = arith.mulf %gather3A_451, %gather3A_451 : vector<16xf32>
        %add3A_457 = arith.addf %add3A_445, %mul3A_456 : vector<16xf32>
        %mul3A_458 = arith.mulf %gather3A_453, %gather3A_453 : vector<16xf32>
        %add3A_459 = arith.addf %add3A_447, %mul3A_458 : vector<16xf32>
        %broadcast_in_dim3A_460 = arith.constant 35 : i32
        %broadcast_in_dim3A_461 = vector.broadcast %broadcast_in_dim3A_460 : i32 to vector<16xi32>
        %add3A_462 = arith.addi %broadcast_in_dim3A_461, %get3A_36 : vector<16xi32>
        %gather3A_463 = tpu.vector_load_idx %arg12[%add3A_33, %add3A_462] : memref<128x128xf32, #tpu.memory_space<vmem>>[vector<16xi32>, vector<16xi32>], vector<16xf32>,
        %add3A_464 = arith.addi %broadcast_in_dim3A_461, %get3A_40 : vector<16xi32>
        %gather3A_465 = tpu.vector_load_idx %arg13[%add3A_33, %add3A_464] : memref<128x128xf32, #tpu.memory_space<vmem>>[vector<16xi32>, vector<16xi32>], vector<16xf32>,
        %mul3A_466 = arith.mulf %gather3A_463, %gather3A_465 : vector<16xf32>
        %add3A_467 = arith.addf %add3A_455, %mul3A_466 : vector<16xf32>
        %mul3A_468 = arith.mulf %gather3A_463, %gather3A_463 : vector<16xf32>
        %add3A_469 = arith.addf %add3A_457, %mul3A_468 : vector<16xf32>
        %mul3A_470 = arith.mulf %gather3A_465, %gather3A_465 : vector<16xf32>
        %add3A_471 = arith.addf %add3A_459, %mul3A_470 : vector<16xf32>
        %broadcast_in_dim3A_472 = arith.constant 36 : i32
        %broadcast_in_dim3A_473 = vector.broadcast %broadcast_in_dim3A_472 : i32 to vector<16xi32>
        %add3A_474 = arith.addi %broadcast_in_dim3A_473, %get3A_36 : vector<16xi32>
        %gather3A_475 = tpu.vector_load_idx %arg12[%add3A_33, %add3A_474] : memref<128x128xf32, #tpu.memory_space<vmem>>[vector<16xi32>, vector<16xi32>], vector<16xf32>,
        %add3A_476 = arith.addi %broadcast_in_dim3A_473, %get3A_40 : vector<16xi32>
        %gather3A_477 = tpu.vector_load_idx %arg13[%add3A_33, %add3A_476] : memref<128x128xf32, #tpu.memory_space<vmem>>[vector<16xi32>, vector<16xi32>], vector<16xf32>,
        %mul3A_478 = arith.mulf %gather3A_475, %gather3A_477 : vector<16xf32>
        %add3A_479 = arith.addf %add3A_467, %mul3A_478 : vector<16xf32>
        %mul3A_480 = arith.mulf %gather3A_475, %gather3A_475 : vector<16xf32>
        %add3A_481 = arith.addf %add3A_469, %mul3A_480 : vector<16xf32>
        %mul3A_482 = arith.mulf %gather3A_477, %gather3A_477 : vector<16xf32>
        %add3A_483 = arith.addf %add3A_471, %mul3A_482 : vector<16xf32>
        %broadcast_in_dim3A_484 = arith.constant 37 : i32
        %broadcast_in_dim3A_485 = vector.broadcast %broadcast_in_dim3A_484 : i32 to vector<16xi32>
        %add3A_486 = arith.addi %broadcast_in_dim3A_485, %get3A_36 : vector<16xi32>
        %gather3A_487 = tpu.vector_load_idx %arg12[%add3A_33, %add3A_486] : memref<128x128xf32, #tpu.memory_space<vmem>>[vector<16xi32>, vector<16xi32>], vector<16xf32>,
        %add3A_488 = arith.addi %broadcast_in_dim3A_485, %get3A_40 : vector<16xi32>
        %gather3A_489 = tpu.vector_load_idx %arg13[%add3A_33, %add3A_488] : memref<128x128xf32, #tpu.memory_space<vmem>>[vector<16xi32>, vector<16xi32>], vector<16xf32>,
        %mul3A_490 = arith.mulf %gather3A_487, %gather3A_489 : vector<16xf32>
        %add3A_491 = arith.addf %add3A_479, %mul3A_490 : vector<16xf32>
        %mul3A_492 = arith.mulf %gather3A_487, %gather3A_487 : vector<16xf32>
        %add3A_493 = arith.addf %add3A_481, %mul3A_492 : vector<16xf32>
        %mul3A_494 = arith.mulf %gather3A_489, %gather3A_489 : vector<16xf32>
        %add3A_495 = arith.addf %add3A_483, %mul3A_494 : vector<16xf32>
        %broadcast_in_dim3A_496 = arith.constant 38 : i32
        %broadcast_in_dim3A_497 = vector.broadcast %broadcast_in_dim3A_496 : i32 to vector<16xi32>
        %add3A_498 = arith.addi %broadcast_in_dim3A_497, %get3A_36 : vector<16xi32>
        %gather3A_499 = tpu.vector_load_idx %arg12[%add3A_33, %add3A_498] : memref<128x128xf32, #tpu.memory_space<vmem>>[vector<16xi32>, vector<16xi32>], vector<16xf32>,
        %add3A_500 = arith.addi %broadcast_in_dim3A_497, %get3A_40 : vector<16xi32>
        %gather3A_501 = tpu.vector_load_idx %arg13[%add3A_33, %add3A_500] : memref<128x128xf32, #tpu.memory_space<vmem>>[vector<16xi32>, vector<16xi32>], vector<16xf32>,
        %mul3A_502 = arith.mulf %gather3A_499, %gather3A_501 : vector<16xf32>
        %add3A_503 = arith.addf %add3A_491, %mul3A_502 : vector<16xf32>
        %mul3A_504 = arith.mulf %gather3A_499, %gather3A_499 : vector<16xf32>
        %add3A_505 = arith.addf %add3A_493, %mul3A_504 : vector<16xf32>
        %mul3A_506 = arith.mulf %gather3A_501, %gather3A_501 : vector<16xf32>
        %add3A_507 = arith.addf %add3A_495, %mul3A_506 : vector<16xf32>
        %broadcast_in_dim3A_508 = arith.constant 39 : i32
        %broadcast_in_dim3A_509 = vector.broadcast %broadcast_in_dim3A_508 : i32 to vector<16xi32>
        %add3A_510 = arith.addi %broadcast_in_dim3A_509, %get3A_36 : vector<16xi32>
        %gather3A_511 = tpu.vector_load_idx %arg12[%add3A_33, %add3A_510] : memref<128x128xf32, #tpu.memory_space<vmem>>[vector<16xi32>, vector<16xi32>], vector<16xf32>,
        %add3A_512 = arith.addi %broadcast_in_dim3A_509, %get3A_40 : vector<16xi32>
        %gather3A_513 = tpu.vector_load_idx %arg13[%add3A_33, %add3A_512] : memref<128x128xf32, #tpu.memory_space<vmem>>[vector<16xi32>, vector<16xi32>], vector<16xf32>,
        %mul3A_514 = arith.mulf %gather3A_511, %gather3A_513 : vector<16xf32>
        %add3A_515 = arith.addf %add3A_503, %mul3A_514 : vector<16xf32>
        %mul3A_516 = arith.mulf %gather3A_511, %gather3A_511 : vector<16xf32>
        %add3A_517 = arith.addf %add3A_505, %mul3A_516 : vector<16xf32>
        %mul3A_518 = arith.mulf %gather3A_513, %gather3A_513 : vector<16xf32>
        %add3A_519 = arith.addf %add3A_507, %mul3A_518 : vector<16xf32>
        %broadcast_in_dim3A_520 = arith.constant 40 : i32
        %broadcast_in_dim3A_521 = vector.broadcast %broadcast_in_dim3A_520 : i32 to vector<16xi32>
        %add3A_522 = arith.addi %broadcast_in_dim3A_521, %get3A_36 : vector<16xi32>
        %gather3A_523 = tpu.vector_load_idx %arg12[%add3A_33, %add3A_522] : memref<128x128xf32, #tpu.memory_space<vmem>>[vector<16xi32>, vector<16xi32>], vector<16xf32>,
        %add3A_524 = arith.addi %broadcast_in_dim3A_521, %get3A_40 : vector<16xi32>
        %gather3A_525 = tpu.vector_load_idx %arg13[%add3A_33, %add3A_524] : memref<128x128xf32, #tpu.memory_space<vmem>>[vector<16xi32>, vector<16xi32>], vector<16xf32>,
        %mul3A_526 = arith.mulf %gather3A_523, %gather3A_525 : vector<16xf32>
        %add3A_527 = arith.addf %add3A_515, %mul3A_526 : vector<16xf32>
        %mul3A_528 = arith.mulf %gather3A_523, %gather3A_523 : vector<16xf32>
        %add3A_529 = arith.addf %add3A_517, %mul3A_528 : vector<16xf32>
        %mul3A_530 = arith.mulf %gather3A_525, %gather3A_525 : vector<16xf32>
        %add3A_531 = arith.addf %add3A_519, %mul3A_530 : vector<16xf32>
        %broadcast_in_dim3A_532 = arith.constant 41 : i32
        %broadcast_in_dim3A_533 = vector.broadcast %broadcast_in_dim3A_532 : i32 to vector<16xi32>
        %add3A_534 = arith.addi %broadcast_in_dim3A_533, %get3A_36 : vector<16xi32>
        %gather3A_535 = tpu.vector_load_idx %arg12[%add3A_33, %add3A_534] : memref<128x128xf32, #tpu.memory_space<vmem>>[vector<16xi32>, vector<16xi32>], vector<16xf32>,
        %add3A_536 = arith.addi %broadcast_in_dim3A_533, %get3A_40 : vector<16xi32>
        %gather3A_537 = tpu.vector_load_idx %arg13[%add3A_33, %add3A_536] : memref<128x128xf32, #tpu.memory_space<vmem>>[vector<16xi32>, vector<16xi32>], vector<16xf32>,
        %mul3A_538 = arith.mulf %gather3A_535, %gather3A_537 : vector<16xf32>
        %add3A_539 = arith.addf %add3A_527, %mul3A_538 : vector<16xf32>
        %mul3A_540 = arith.mulf %gather3A_535, %gather3A_535 : vector<16xf32>
        %add3A_541 = arith.addf %add3A_529, %mul3A_540 : vector<16xf32>
        %mul3A_542 = arith.mulf %gather3A_537, %gather3A_537 : vector<16xf32>
        %add3A_543 = arith.addf %add3A_531, %mul3A_542 : vector<16xf32>
        %broadcast_in_dim3A_544 = arith.constant 42 : i32
        %broadcast_in_dim3A_545 = vector.broadcast %broadcast_in_dim3A_544 : i32 to vector<16xi32>
        %add3A_546 = arith.addi %broadcast_in_dim3A_545, %get3A_36 : vector<16xi32>
        %gather3A_547 = tpu.vector_load_idx %arg12[%add3A_33, %add3A_546] : memref<128x128xf32, #tpu.memory_space<vmem>>[vector<16xi32>, vector<16xi32>], vector<16xf32>,
        %add3A_548 = arith.addi %broadcast_in_dim3A_545, %get3A_40 : vector<16xi32>
        %gather3A_549 = tpu.vector_load_idx %arg13[%add3A_33, %add3A_548] : memref<128x128xf32, #tpu.memory_space<vmem>>[vector<16xi32>, vector<16xi32>], vector<16xf32>,
        %mul3A_550 = arith.mulf %gather3A_547, %gather3A_549 : vector<16xf32>
        %add3A_551 = arith.addf %add3A_539, %mul3A_550 : vector<16xf32>
        %mul3A_552 = arith.mulf %gather3A_547, %gather3A_547 : vector<16xf32>
        %add3A_553 = arith.addf %add3A_541, %mul3A_552 : vector<16xf32>
        %mul3A_554 = arith.mulf %gather3A_549, %gather3A_549 : vector<16xf32>
        %add3A_555 = arith.addf %add3A_543, %mul3A_554 : vector<16xf32>
        %broadcast_in_dim3A_556 = arith.constant 43 : i32
        %broadcast_in_dim3A_557 = vector.broadcast %broadcast_in_dim3A_556 : i32 to vector<16xi32>
        %add3A_558 = arith.addi %broadcast_in_dim3A_557, %get3A_36 : vector<16xi32>
        %gather3A_559 = tpu.vector_load_idx %arg12[%add3A_33, %add3A_558] : memref<128x128xf32, #tpu.memory_space<vmem>>[vector<16xi32>, vector<16xi32>], vector<16xf32>,
        %add3A_560 = arith.addi %broadcast_in_dim3A_557, %get3A_40 : vector<16xi32>
        %gather3A_561 = tpu.vector_load_idx %arg13[%add3A_33, %add3A_560] : memref<128x128xf32, #tpu.memory_space<vmem>>[vector<16xi32>, vector<16xi32>], vector<16xf32>,
        %mul3A_562 = arith.mulf %gather3A_559, %gather3A_561 : vector<16xf32>
        %add3A_563 = arith.addf %add3A_551, %mul3A_562 : vector<16xf32>
        %mul3A_564 = arith.mulf %gather3A_559, %gather3A_559 : vector<16xf32>
        %add3A_565 = arith.addf %add3A_553, %mul3A_564 : vector<16xf32>
        %mul3A_566 = arith.mulf %gather3A_561, %gather3A_561 : vector<16xf32>
        %add3A_567 = arith.addf %add3A_555, %mul3A_566 : vector<16xf32>
        %broadcast_in_dim3A_568 = arith.constant 44 : i32
        %broadcast_in_dim3A_569 = vector.broadcast %broadcast_in_dim3A_568 : i32 to vector<16xi32>
        %add3A_570 = arith.addi %broadcast_in_dim3A_569, %get3A_36 : vector<16xi32>
        %gather3A_571 = tpu.vector_load_idx %arg12[%add3A_33, %add3A_570] : memref<128x128xf32, #tpu.memory_space<vmem>>[vector<16xi32>, vector<16xi32>], vector<16xf32>,
        %add3A_572 = arith.addi %broadcast_in_dim3A_569, %get3A_40 : vector<16xi32>
        %gather3A_573 = tpu.vector_load_idx %arg13[%add3A_33, %add3A_572] : memref<128x128xf32, #tpu.memory_space<vmem>>[vector<16xi32>, vector<16xi32>], vector<16xf32>,
        %mul3A_574 = arith.mulf %gather3A_571, %gather3A_573 : vector<16xf32>
        %add3A_575 = arith.addf %add3A_563, %mul3A_574 : vector<16xf32>
        %mul3A_576 = arith.mulf %gather3A_571, %gather3A_571 : vector<16xf32>
        %add3A_577 = arith.addf %add3A_565, %mul3A_576 : vector<16xf32>
        %mul3A_578 = arith.mulf %gather3A_573, %gather3A_573 : vector<16xf32>
        %add3A_579 = arith.addf %add3A_567, %mul3A_578 : vector<16xf32>
        %broadcast_in_dim3A_580 = arith.constant 45 : i32
        %broadcast_in_dim3A_581 = vector.broadcast %broadcast_in_dim3A_580 : i32 to vector<16xi32>
        %add3A_582 = arith.addi %broadcast_in_dim3A_581, %get3A_36 : vector<16xi32>
        %gather3A_583 = tpu.vector_load_idx %arg12[%add3A_33, %add3A_582] : memref<128x128xf32, #tpu.memory_space<vmem>>[vector<16xi32>, vector<16xi32>], vector<16xf32>,
        %add3A_584 = arith.addi %broadcast_in_dim3A_581, %get3A_40 : vector<16xi32>
        %gather3A_585 = tpu.vector_load_idx %arg13[%add3A_33, %add3A_584] : memref<128x128xf32, #tpu.memory_space<vmem>>[vector<16xi32>, vector<16xi32>], vector<16xf32>,
        %mul3A_586 = arith.mulf %gather3A_583, %gather3A_585 : vector<16xf32>
        %add3A_587 = arith.addf %add3A_575, %mul3A_586 : vector<16xf32>
        %mul3A_588 = arith.mulf %gather3A_583, %gather3A_583 : vector<16xf32>
        %add3A_589 = arith.addf %add3A_577, %mul3A_588 : vector<16xf32>
        %mul3A_590 = arith.mulf %gather3A_585, %gather3A_585 : vector<16xf32>
        %add3A_591 = arith.addf %add3A_579, %mul3A_590 : vector<16xf32>
        %broadcast_in_dim3A_592 = arith.constant 46 : i32
        %broadcast_in_dim3A_593 = vector.broadcast %broadcast_in_dim3A_592 : i32 to vector<16xi32>
        %add3A_594 = arith.addi %broadcast_in_dim3A_593, %get3A_36 : vector<16xi32>
        %gather3A_595 = tpu.vector_load_idx %arg12[%add3A_33, %add3A_594] : memref<128x128xf32, #tpu.memory_space<vmem>>[vector<16xi32>, vector<16xi32>], vector<16xf32>,
        %add3A_596 = arith.addi %broadcast_in_dim3A_593, %get3A_40 : vector<16xi32>
        %gather3A_597 = tpu.vector_load_idx %arg13[%add3A_33, %add3A_596] : memref<128x128xf32, #tpu.memory_space<vmem>>[vector<16xi32>, vector<16xi32>], vector<16xf32>,
        %mul3A_598 = arith.mulf %gather3A_595, %gather3A_597 : vector<16xf32>
        %add3A_599 = arith.addf %add3A_587, %mul3A_598 : vector<16xf32>
        %mul3A_600 = arith.mulf %gather3A_595, %gather3A_595 : vector<16xf32>
        %add3A_601 = arith.addf %add3A_589, %mul3A_600 : vector<16xf32>
        %mul3A_602 = arith.mulf %gather3A_597, %gather3A_597 : vector<16xf32>
        %add3A_603 = arith.addf %add3A_591, %mul3A_602 : vector<16xf32>
        %broadcast_in_dim3A_604 = arith.constant 47 : i32
        %broadcast_in_dim3A_605 = vector.broadcast %broadcast_in_dim3A_604 : i32 to vector<16xi32>
        %add3A_606 = arith.addi %broadcast_in_dim3A_605, %get3A_36 : vector<16xi32>
        %gather3A_607 = tpu.vector_load_idx %arg12[%add3A_33, %add3A_606] : memref<128x128xf32, #tpu.memory_space<vmem>>[vector<16xi32>, vector<16xi32>], vector<16xf32>,
        %add3A_608 = arith.addi %broadcast_in_dim3A_605, %get3A_40 : vector<16xi32>
        %gather3A_609 = tpu.vector_load_idx %arg13[%add3A_33, %add3A_608] : memref<128x128xf32, #tpu.memory_space<vmem>>[vector<16xi32>, vector<16xi32>], vector<16xf32>,
        %mul3A_610 = arith.mulf %gather3A_607, %gather3A_609 : vector<16xf32>
        %add3A_611 = arith.addf %add3A_599, %mul3A_610 : vector<16xf32>
        %mul3A_612 = arith.mulf %gather3A_607, %gather3A_607 : vector<16xf32>
        %add3A_613 = arith.addf %add3A_601, %mul3A_612 : vector<16xf32>
        %mul3A_614 = arith.mulf %gather3A_609, %gather3A_609 : vector<16xf32>
        %add3A_615 = arith.addf %add3A_603, %mul3A_614 : vector<16xf32>
        %broadcast_in_dim3A_616 = arith.constant 48 : i32
        %broadcast_in_dim3A_617 = vector.broadcast %broadcast_in_dim3A_616 : i32 to vector<16xi32>
        %add3A_618 = arith.addi %broadcast_in_dim3A_617, %get3A_36 : vector<16xi32>
        %gather3A_619 = tpu.vector_load_idx %arg12[%add3A_33, %add3A_618] : memref<128x128xf32, #tpu.memory_space<vmem>>[vector<16xi32>, vector<16xi32>], vector<16xf32>,
        %add3A_620 = arith.addi %broadcast_in_dim3A_617, %get3A_40 : vector<16xi32>
        %gather3A_621 = tpu.vector_load_idx %arg13[%add3A_33, %add3A_620] : memref<128x128xf32, #tpu.memory_space<vmem>>[vector<16xi32>, vector<16xi32>], vector<16xf32>,
        %mul3A_622 = arith.mulf %gather3A_619, %gather3A_621 : vector<16xf32>
        %add3A_623 = arith.addf %add3A_611, %mul3A_622 : vector<16xf32>
        %mul3A_624 = arith.mulf %gather3A_619, %gather3A_619 : vector<16xf32>
        %add3A_625 = arith.addf %add3A_613, %mul3A_624 : vector<16xf32>
        %mul3A_626 = arith.mulf %gather3A_621, %gather3A_621 : vector<16xf32>
        %add3A_627 = arith.addf %add3A_615, %mul3A_626 : vector<16xf32>
        %broadcast_in_dim3A_628 = arith.constant 49 : i32
        %broadcast_in_dim3A_629 = vector.broadcast %broadcast_in_dim3A_628 : i32 to vector<16xi32>
        %add3A_630 = arith.addi %broadcast_in_dim3A_629, %get3A_36 : vector<16xi32>
        %gather3A_631 = tpu.vector_load_idx %arg12[%add3A_33, %add3A_630] : memref<128x128xf32, #tpu.memory_space<vmem>>[vector<16xi32>, vector<16xi32>], vector<16xf32>,
        %add3A_632 = arith.addi %broadcast_in_dim3A_629, %get3A_40 : vector<16xi32>
        %gather3A_633 = tpu.vector_load_idx %arg13[%add3A_33, %add3A_632] : memref<128x128xf32, #tpu.memory_space<vmem>>[vector<16xi32>, vector<16xi32>], vector<16xf32>,
        %mul3A_634 = arith.mulf %gather3A_631, %gather3A_633 : vector<16xf32>
        %add3A_635 = arith.addf %add3A_623, %mul3A_634 : vector<16xf32>
        %mul3A_636 = arith.mulf %gather3A_631, %gather3A_631 : vector<16xf32>
        %add3A_637 = arith.addf %add3A_625, %mul3A_636 : vector<16xf32>
        %mul3A_638 = arith.mulf %gather3A_633, %gather3A_633 : vector<16xf32>
        %add3A_639 = arith.addf %add3A_627, %mul3A_638 : vector<16xf32>
        %broadcast_in_dim3A_640 = arith.constant 50 : i32
        %broadcast_in_dim3A_641 = vector.broadcast %broadcast_in_dim3A_640 : i32 to vector<16xi32>
        %add3A_642 = arith.addi %broadcast_in_dim3A_641, %get3A_36 : vector<16xi32>
        %gather3A_643 = tpu.vector_load_idx %arg12[%add3A_33, %add3A_642] : memref<128x128xf32, #tpu.memory_space<vmem>>[vector<16xi32>, vector<16xi32>], vector<16xf32>,
        %add3A_644 = arith.addi %broadcast_in_dim3A_641, %get3A_40 : vector<16xi32>
        %gather3A_645 = tpu.vector_load_idx %arg13[%add3A_33, %add3A_644] : memref<128x128xf32, #tpu.memory_space<vmem>>[vector<16xi32>, vector<16xi32>], vector<16xf32>,
        %mul3A_646 = arith.mulf %gather3A_643, %gather3A_645 : vector<16xf32>
        %add3A_647 = arith.addf %add3A_635, %mul3A_646 : vector<16xf32>
        %mul3A_648 = arith.mulf %gather3A_643, %gather3A_643 : vector<16xf32>
        %add3A_649 = arith.addf %add3A_637, %mul3A_648 : vector<16xf32>
        %mul3A_650 = arith.mulf %gather3A_645, %gather3A_645 : vector<16xf32>
        %add3A_651 = arith.addf %add3A_639, %mul3A_650 : vector<16xf32>
        %broadcast_in_dim3A_652 = arith.constant 51 : i32
        %broadcast_in_dim3A_653 = vector.broadcast %broadcast_in_dim3A_652 : i32 to vector<16xi32>
        %add3A_654 = arith.addi %broadcast_in_dim3A_653, %get3A_36 : vector<16xi32>
        %gather3A_655 = tpu.vector_load_idx %arg12[%add3A_33, %add3A_654] : memref<128x128xf32, #tpu.memory_space<vmem>>[vector<16xi32>, vector<16xi32>], vector<16xf32>,
        %add3A_656 = arith.addi %broadcast_in_dim3A_653, %get3A_40 : vector<16xi32>
        %gather3A_657 = tpu.vector_load_idx %arg13[%add3A_33, %add3A_656] : memref<128x128xf32, #tpu.memory_space<vmem>>[vector<16xi32>, vector<16xi32>], vector<16xf32>,
        %mul3A_658 = arith.mulf %gather3A_655, %gather3A_657 : vector<16xf32>
        %add3A_659 = arith.addf %add3A_647, %mul3A_658 : vector<16xf32>
        %mul3A_660 = arith.mulf %gather3A_655, %gather3A_655 : vector<16xf32>
        %add3A_661 = arith.addf %add3A_649, %mul3A_660 : vector<16xf32>
        %mul3A_662 = arith.mulf %gather3A_657, %gather3A_657 : vector<16xf32>
        %add3A_663 = arith.addf %add3A_651, %mul3A_662 : vector<16xf32>
        %broadcast_in_dim3A_664 = arith.constant 52 : i32
        %broadcast_in_dim3A_665 = vector.broadcast %broadcast_in_dim3A_664 : i32 to vector<16xi32>
        %add3A_666 = arith.addi %broadcast_in_dim3A_665, %get3A_36 : vector<16xi32>
        %gather3A_667 = tpu.vector_load_idx %arg12[%add3A_33, %add3A_666] : memref<128x128xf32, #tpu.memory_space<vmem>>[vector<16xi32>, vector<16xi32>], vector<16xf32>,
        %add3A_668 = arith.addi %broadcast_in_dim3A_665, %get3A_40 : vector<16xi32>
        %gather3A_669 = tpu.vector_load_idx %arg13[%add3A_33, %add3A_668] : memref<128x128xf32, #tpu.memory_space<vmem>>[vector<16xi32>, vector<16xi32>], vector<16xf32>,
        %mul3A_670 = arith.mulf %gather3A_667, %gather3A_669 : vector<16xf32>
        %add3A_671 = arith.addf %add3A_659, %mul3A_670 : vector<16xf32>
        %mul3A_672 = arith.mulf %gather3A_667, %gather3A_667 : vector<16xf32>
        %add3A_673 = arith.addf %add3A_661, %mul3A_672 : vector<16xf32>
        %mul3A_674 = arith.mulf %gather3A_669, %gather3A_669 : vector<16xf32>
        %add3A_675 = arith.addf %add3A_663, %mul3A_674 : vector<16xf32>
        %broadcast_in_dim3A_676 = arith.constant 53 : i32
        %broadcast_in_dim3A_677 = vector.broadcast %broadcast_in_dim3A_676 : i32 to vector<16xi32>
        %add3A_678 = arith.addi %broadcast_in_dim3A_677, %get3A_36 : vector<16xi32>
        %gather3A_679 = tpu.vector_load_idx %arg12[%add3A_33, %add3A_678] : memref<128x128xf32, #tpu.memory_space<vmem>>[vector<16xi32>, vector<16xi32>], vector<16xf32>,
        %add3A_680 = arith.addi %broadcast_in_dim3A_677, %get3A_40 : vector<16xi32>
        %gather3A_681 = tpu.vector_load_idx %arg13[%add3A_33, %add3A_680] : memref<128x128xf32, #tpu.memory_space<vmem>>[vector<16xi32>, vector<16xi32>], vector<16xf32>,
        %mul3A_682 = arith.mulf %gather3A_679, %gather3A_681 : vector<16xf32>
        %add3A_683 = arith.addf %add3A_671, %mul3A_682 : vector<16xf32>
        %mul3A_684 = arith.mulf %gather3A_679, %gather3A_679 : vector<16xf32>
        %add3A_685 = arith.addf %add3A_673, %mul3A_684 : vector<16xf32>
        %mul3A_686 = arith.mulf %gather3A_681, %gather3A_681 : vector<16xf32>
        %add3A_687 = arith.addf %add3A_675, %mul3A_686 : vector<16xf32>
        %broadcast_in_dim3A_688 = arith.constant 54 : i32
        %broadcast_in_dim3A_689 = vector.broadcast %broadcast_in_dim3A_688 : i32 to vector<16xi32>
        %add3A_690 = arith.addi %broadcast_in_dim3A_689, %get3A_36 : vector<16xi32>
        %gather3A_691 = tpu.vector_load_idx %arg12[%add3A_33, %add3A_690] : memref<128x128xf32, #tpu.memory_space<vmem>>[vector<16xi32>, vector<16xi32>], vector<16xf32>,
        %add3A_692 = arith.addi %broadcast_in_dim3A_689, %get3A_40 : vector<16xi32>
        %gather3A_693 = tpu.vector_load_idx %arg13[%add3A_33, %add3A_692] : memref<128x128xf32, #tpu.memory_space<vmem>>[vector<16xi32>, vector<16xi32>], vector<16xf32>,
        %mul3A_694 = arith.mulf %gather3A_691, %gather3A_693 : vector<16xf32>
        %add3A_695 = arith.addf %add3A_683, %mul3A_694 : vector<16xf32>
        %mul3A_696 = arith.mulf %gather3A_691, %gather3A_691 : vector<16xf32>
        %add3A_697 = arith.addf %add3A_685, %mul3A_696 : vector<16xf32>
        %mul3A_698 = arith.mulf %gather3A_693, %gather3A_693 : vector<16xf32>
        %add3A_699 = arith.addf %add3A_687, %mul3A_698 : vector<16xf32>
        %broadcast_in_dim3A_700 = arith.constant 55 : i32
        %broadcast_in_dim3A_701 = vector.broadcast %broadcast_in_dim3A_700 : i32 to vector<16xi32>
        %add3A_702 = arith.addi %broadcast_in_dim3A_701, %get3A_36 : vector<16xi32>
        %gather3A_703 = tpu.vector_load_idx %arg12[%add3A_33, %add3A_702] : memref<128x128xf32, #tpu.memory_space<vmem>>[vector<16xi32>, vector<16xi32>], vector<16xf32>,
        %add3A_704 = arith.addi %broadcast_in_dim3A_701, %get3A_40 : vector<16xi32>
        %gather3A_705 = tpu.vector_load_idx %arg13[%add3A_33, %add3A_704] : memref<128x128xf32, #tpu.memory_space<vmem>>[vector<16xi32>, vector<16xi32>], vector<16xf32>,
        %mul3A_706 = arith.mulf %gather3A_703, %gather3A_705 : vector<16xf32>
        %add3A_707 = arith.addf %add3A_695, %mul3A_706 : vector<16xf32>
        %mul3A_708 = arith.mulf %gather3A_703, %gather3A_703 : vector<16xf32>
        %add3A_709 = arith.addf %add3A_697, %mul3A_708 : vector<16xf32>
        %mul3A_710 = arith.mulf %gather3A_705, %gather3A_705 : vector<16xf32>
        %add3A_711 = arith.addf %add3A_699, %mul3A_710 : vector<16xf32>
        %broadcast_in_dim3A_712 = arith.constant 56 : i32
        %broadcast_in_dim3A_713 = vector.broadcast %broadcast_in_dim3A_712 : i32 to vector<16xi32>
        %add3A_714 = arith.addi %broadcast_in_dim3A_713, %get3A_36 : vector<16xi32>
        %gather3A_715 = tpu.vector_load_idx %arg12[%add3A_33, %add3A_714] : memref<128x128xf32, #tpu.memory_space<vmem>>[vector<16xi32>, vector<16xi32>], vector<16xf32>,
        %add3A_716 = arith.addi %broadcast_in_dim3A_713, %get3A_40 : vector<16xi32>
        %gather3A_717 = tpu.vector_load_idx %arg13[%add3A_33, %add3A_716] : memref<128x128xf32, #tpu.memory_space<vmem>>[vector<16xi32>, vector<16xi32>], vector<16xf32>,
        %mul3A_718 = arith.mulf %gather3A_715, %gather3A_717 : vector<16xf32>
        %add3A_719 = arith.addf %add3A_707, %mul3A_718 : vector<16xf32>
        %mul3A_720 = arith.mulf %gather3A_715, %gather3A_715 : vector<16xf32>
        %add3A_721 = arith.addf %add3A_709, %mul3A_720 : vector<16xf32>
        %mul3A_722 = arith.mulf %gather3A_717, %gather3A_717 : vector<16xf32>
        %add3A_723 = arith.addf %add3A_711, %mul3A_722 : vector<16xf32>
        %broadcast_in_dim3A_724 = arith.constant 57 : i32
        %broadcast_in_dim3A_725 = vector.broadcast %broadcast_in_dim3A_724 : i32 to vector<16xi32>
        %add3A_726 = arith.addi %broadcast_in_dim3A_725, %get3A_36 : vector<16xi32>
        %gather3A_727 = tpu.vector_load_idx %arg12[%add3A_33, %add3A_726] : memref<128x128xf32, #tpu.memory_space<vmem>>[vector<16xi32>, vector<16xi32>], vector<16xf32>,
        %add3A_728 = arith.addi %broadcast_in_dim3A_725, %get3A_40 : vector<16xi32>
        %gather3A_729 = tpu.vector_load_idx %arg13[%add3A_33, %add3A_728] : memref<128x128xf32, #tpu.memory_space<vmem>>[vector<16xi32>, vector<16xi32>], vector<16xf32>,
        %mul3A_730 = arith.mulf %gather3A_727, %gather3A_729 : vector<16xf32>
        %add3A_731 = arith.addf %add3A_719, %mul3A_730 : vector<16xf32>
        %mul3A_732 = arith.mulf %gather3A_727, %gather3A_727 : vector<16xf32>
        %add3A_733 = arith.addf %add3A_721, %mul3A_732 : vector<16xf32>
        %mul3A_734 = arith.mulf %gather3A_729, %gather3A_729 : vector<16xf32>
        %add3A_735 = arith.addf %add3A_723, %mul3A_734 : vector<16xf32>
        %broadcast_in_dim3A_736 = arith.constant 58 : i32
        %broadcast_in_dim3A_737 = vector.broadcast %broadcast_in_dim3A_736 : i32 to vector<16xi32>
        %add3A_738 = arith.addi %broadcast_in_dim3A_737, %get3A_36 : vector<16xi32>
        %gather3A_739 = tpu.vector_load_idx %arg12[%add3A_33, %add3A_738] : memref<128x128xf32, #tpu.memory_space<vmem>>[vector<16xi32>, vector<16xi32>], vector<16xf32>,
        %add3A_740 = arith.addi %broadcast_in_dim3A_737, %get3A_40 : vector<16xi32>
        %gather3A_741 = tpu.vector_load_idx %arg13[%add3A_33, %add3A_740] : memref<128x128xf32, #tpu.memory_space<vmem>>[vector<16xi32>, vector<16xi32>], vector<16xf32>,
        %mul3A_742 = arith.mulf %gather3A_739, %gather3A_741 : vector<16xf32>
        %add3A_743 = arith.addf %add3A_731, %mul3A_742 : vector<16xf32>
        %mul3A_744 = arith.mulf %gather3A_739, %gather3A_739 : vector<16xf32>
        %add3A_745 = arith.addf %add3A_733, %mul3A_744 : vector<16xf32>
        %mul3A_746 = arith.mulf %gather3A_741, %gather3A_741 : vector<16xf32>
        %add3A_747 = arith.addf %add3A_735, %mul3A_746 : vector<16xf32>
        %broadcast_in_dim3A_748 = arith.constant 59 : i32
        %broadcast_in_dim3A_749 = vector.broadcast %broadcast_in_dim3A_748 : i32 to vector<16xi32>
        %add3A_750 = arith.addi %broadcast_in_dim3A_749, %get3A_36 : vector<16xi32>
        %gather3A_751 = tpu.vector_load_idx %arg12[%add3A_33, %add3A_750] : memref<128x128xf32, #tpu.memory_space<vmem>>[vector<16xi32>, vector<16xi32>], vector<16xf32>,
        %add3A_752 = arith.addi %broadcast_in_dim3A_749, %get3A_40 : vector<16xi32>
        %gather3A_753 = tpu.vector_load_idx %arg13[%add3A_33, %add3A_752] : memref<128x128xf32, #tpu.memory_space<vmem>>[vector<16xi32>, vector<16xi32>], vector<16xf32>,
        %mul3A_754 = arith.mulf %gather3A_751, %gather3A_753 : vector<16xf32>
        %add3A_755 = arith.addf %add3A_743, %mul3A_754 : vector<16xf32>
        %mul3A_756 = arith.mulf %gather3A_751, %gather3A_751 : vector<16xf32>
        %add3A_757 = arith.addf %add3A_745, %mul3A_756 : vector<16xf32>
        %mul3A_758 = arith.mulf %gather3A_753, %gather3A_753 : vector<16xf32>
        %add3A_759 = arith.addf %add3A_747, %mul3A_758 : vector<16xf32>
        %broadcast_in_dim3A_760 = arith.constant 60 : i32
        %broadcast_in_dim3A_761 = vector.broadcast %broadcast_in_dim3A_760 : i32 to vector<16xi32>
        %add3A_762 = arith.addi %broadcast_in_dim3A_761, %get3A_36 : vector<16xi32>
        %gather3A_763 = tpu.vector_load_idx %arg12[%add3A_33, %add3A_762] : memref<128x128xf32, #tpu.memory_space<vmem>>[vector<16xi32>, vector<16xi32>], vector<16xf32>,
        %add3A_764 = arith.addi %broadcast_in_dim3A_761, %get3A_40 : vector<16xi32>
        %gather3A_765 = tpu.vector_load_idx %arg13[%add3A_33, %add3A_764] : memref<128x128xf32, #tpu.memory_space<vmem>>[vector<16xi32>, vector<16xi32>], vector<16xf32>,
        %mul3A_766 = arith.mulf %gather3A_763, %gather3A_765 : vector<16xf32>
        %add3A_767 = arith.addf %add3A_755, %mul3A_766 : vector<16xf32>
        %mul3A_768 = arith.mulf %gather3A_763, %gather3A_763 : vector<16xf32>
        %add3A_769 = arith.addf %add3A_757, %mul3A_768 : vector<16xf32>
        %mul3A_770 = arith.mulf %gather3A_765, %gather3A_765 : vector<16xf32>
        %add3A_771 = arith.addf %add3A_759, %mul3A_770 : vector<16xf32>
        %broadcast_in_dim3A_772 = arith.constant 61 : i32
        %broadcast_in_dim3A_773 = vector.broadcast %broadcast_in_dim3A_772 : i32 to vector<16xi32>
        %add3A_774 = arith.addi %broadcast_in_dim3A_773, %get3A_36 : vector<16xi32>
        %gather3A_775 = tpu.vector_load_idx %arg12[%add3A_33, %add3A_774] : memref<128x128xf32, #tpu.memory_space<vmem>>[vector<16xi32>, vector<16xi32>], vector<16xf32>,
        %add3A_776 = arith.addi %broadcast_in_dim3A_773, %get3A_40 : vector<16xi32>
        %gather3A_777 = tpu.vector_load_idx %arg13[%add3A_33, %add3A_776] : memref<128x128xf32, #tpu.memory_space<vmem>>[vector<16xi32>, vector<16xi32>], vector<16xf32>,
        %mul3A_778 = arith.mulf %gather3A_775, %gather3A_777 : vector<16xf32>
        %add3A_779 = arith.addf %add3A_767, %mul3A_778 : vector<16xf32>
        %mul3A_780 = arith.mulf %gather3A_775, %gather3A_775 : vector<16xf32>
        %add3A_781 = arith.addf %add3A_769, %mul3A_780 : vector<16xf32>
        %mul3A_782 = arith.mulf %gather3A_777, %gather3A_777 : vector<16xf32>
        %add3A_783 = arith.addf %add3A_771, %mul3A_782 : vector<16xf32>
        %broadcast_in_dim3A_784 = arith.constant 62 : i32
        %broadcast_in_dim3A_785 = vector.broadcast %broadcast_in_dim3A_784 : i32 to vector<16xi32>
        %add3A_786 = arith.addi %broadcast_in_dim3A_785, %get3A_36 : vector<16xi32>
        %gather3A_787 = tpu.vector_load_idx %arg12[%add3A_33, %add3A_786] : memref<128x128xf32, #tpu.memory_space<vmem>>[vector<16xi32>, vector<16xi32>], vector<16xf32>,
        %add3A_788 = arith.addi %broadcast_in_dim3A_785, %get3A_40 : vector<16xi32>
        %gather3A_789 = tpu.vector_load_idx %arg13[%add3A_33, %add3A_788] : memref<128x128xf32, #tpu.memory_space<vmem>>[vector<16xi32>, vector<16xi32>], vector<16xf32>,
        %mul3A_790 = arith.mulf %gather3A_787, %gather3A_789 : vector<16xf32>
        %add3A_791 = arith.addf %add3A_779, %mul3A_790 : vector<16xf32>
        %mul3A_792 = arith.mulf %gather3A_787, %gather3A_787 : vector<16xf32>
        %add3A_793 = arith.addf %add3A_781, %mul3A_792 : vector<16xf32>
        %mul3A_794 = arith.mulf %gather3A_789, %gather3A_789 : vector<16xf32>
        %add3A_795 = arith.addf %add3A_783, %mul3A_794 : vector<16xf32>
        %broadcast_in_dim3A_796 = arith.constant 63 : i32
        %broadcast_in_dim3A_797 = vector.broadcast %broadcast_in_dim3A_796 : i32 to vector<16xi32>
        %add3A_798 = arith.addi %broadcast_in_dim3A_797, %get3A_36 : vector<16xi32>
        %gather3A_799 = tpu.vector_load_idx %arg12[%add3A_33, %add3A_798] : memref<128x128xf32, #tpu.memory_space<vmem>>[vector<16xi32>, vector<16xi32>], vector<16xf32>,
        %add3A_800 = arith.addi %broadcast_in_dim3A_797, %get3A_40 : vector<16xi32>
        %gather3A_801 = tpu.vector_load_idx %arg13[%add3A_33, %add3A_800] : memref<128x128xf32, #tpu.memory_space<vmem>>[vector<16xi32>, vector<16xi32>], vector<16xf32>,
        %mul3A_802 = arith.mulf %gather3A_799, %gather3A_801 : vector<16xf32>
        %add3A_803 = arith.addf %add3A_791, %mul3A_802 : vector<16xf32>
        %mul3A_804 = arith.mulf %gather3A_799, %gather3A_799 : vector<16xf32>
        %add3A_805 = arith.addf %add3A_793, %mul3A_804 : vector<16xf32>
        %mul3A_806 = arith.mulf %gather3A_801, %gather3A_801 : vector<16xf32>
        %add3A_807 = arith.addf %add3A_795, %mul3A_806 : vector<16xf32>
        %mul3A_808 = arith.mulf %add3A_805, %add3A_807 : vector<16xf32>
        %bitcast3A = vector.bitcast %mul3A_808 : vector<16xf32> to vector<16xi32>
        %broadcast_in_dim3A_809 = arith.constant 1597463007 : i32
        %broadcast_in_dim3A_810 = vector.broadcast %broadcast_in_dim3A_809 : i32 to vector<16xi32>
        %broadcast_in_dim3A_811 = arith.constant 1 : i32
        %broadcast_in_dim3A_812 = vector.broadcast %broadcast_in_dim3A_811 : i32 to vector<16xi32>
        %shift_right_logical3A = arith.shrui %bitcast3A, %broadcast_in_dim3A_812 : vector<16xi32>
        %sub3A = arith.subi %broadcast_in_dim3A_810, %shift_right_logical3A : vector<16xi32>
        %bitcast3A_813 = vector.bitcast %sub3A : vector<16xi32> to vector<16xf32>
        %mul3A_814 = arith.constant 5.000000e-01 : f32
        %mul3A_815 = vector.broadcast %mul3A_814 : f32 to vector<16xf32>
        %mul3A_816 = arith.mulf %mul3A_808, %mul3A_815 : vector<16xf32>
        %mul3A_817 = arith.mulf %mul3A_816, %bitcast3A_813 : vector<16xf32>
        %mul3A_818 = arith.mulf %mul3A_817, %bitcast3A_813 : vector<16xf32>
        %sub3A_819 = arith.constant 1.500000e+00 : f32
        %sub3A_820 = vector.broadcast %sub3A_819 : f32 to vector<16xf32>
        %sub3A_821 = arith.subf %sub3A_820, %mul3A_818 : vector<16xf32>
        %mul3A_822 = arith.mulf %bitcast3A_813, %sub3A_821 : vector<16xf32>
        %mul3A_823 = arith.mulf %mul3A_816, %mul3A_822 : vector<16xf32>
        %mul3A_824 = arith.mulf %mul3A_823, %mul3A_822 : vector<16xf32>
        %sub3A_825 = arith.constant 1.500000e+00 : f32
        %sub3A_826 = vector.broadcast %sub3A_825 : f32 to vector<16xf32>
        %sub3A_827 = arith.subf %sub3A_826, %mul3A_824 : vector<16xf32>
        %mul3A_828 = arith.mulf %mul3A_822, %sub3A_827 : vector<16xf32>
        %mul3A_829 = arith.mulf %mul3A_816, %mul3A_828 : vector<16xf32>
        %mul3A_830 = arith.mulf %mul3A_829, %mul3A_828 : vector<16xf32>
        %sub3A_831 = arith.constant 1.500000e+00 : f32
        %sub3A_832 = vector.broadcast %sub3A_831 : f32 to vector<16xf32>
        %sub3A_833 = arith.subf %sub3A_832, %mul3A_830 : vector<16xf32>
        %mul3A_834 = arith.mulf %mul3A_828, %sub3A_833 : vector<16xf32>
        %mul3A_835 = arith.mulf %add3A_803, %mul3A_834 : vector<16xf32>
        %mul3A_836 = arith.constant 128 : i32
        %mul3A_837 = arith.muli %scan3A_9, %mul3A_836 : i32
        %mul3A_838 = arith.constant 16 : i32
        %mul3A_839 = arith.muli %scan3A_29, %mul3A_838 : i32
        %add3A_840 = arith.addi %mul3A_837, %mul3A_839 : i32
        %swap3A = arith.index_cast %add3A_840 : i32 to index
        %swap3A_841 = tpu.vector_load %arg14[%swap3A] {strides = array<i32>} : memref<512xf32, #tpu.memory_space<vmem>>, vector<16xf32>,
        tpu.vector_store %arg14[%swap3A], %mul3A_835 {strides = array<i32>} : memref<512xf32, #tpu.memory_space<vmem>>, vector<16xf32>,
      }
      %scan3A_28 = arith.constant 8 : i32
    }
    %scan3A_8 = arith.constant 4 : i32
    "tpu.region"() ({
      %run_scoped3A = tpu.sem_alloc : memref<!tpu.dma_semaphore, #tpu.memory_space<semaphore_mem>>
      %dma_start3A = tpu.memref_slice %arg7[%mul3A_2] : memref<16384xf32, #tpu.memory_space<hbm>> -> memref<512xf32, #tpu.memory_space<hbm>>
      %dma_start3A_9 = tpu.memref_slice %arg7[%mul3A_2] : memref<16384xf32, #tpu.memory_space<hbm>> -> memref<512xf32, #tpu.memory_space<hbm>>
      tpu.enqueue_dma source(%arg14 : memref<512xf32, #tpu.memory_space<vmem>>) target(%dma_start3A_9 : memref<512xf32, #tpu.memory_space<hbm>>) target_semaphore(%run_scoped3A : memref<!tpu.dma_semaphore, #tpu.memory_space<semaphore_mem>>)
      %dma_wait3A = tpu.memref_slice %arg7[%mul3A_2] : memref<16384xf32, #tpu.memory_space<hbm>> -> memref<512xf32, #tpu.memory_space<hbm>>
      %dma_wait3A_10 = tpu.memref_slice %arg7[%mul3A_2] : memref<16384xf32, #tpu.memory_space<hbm>> -> memref<512xf32, #tpu.memory_space<hbm>>
      tpu.wait_dma2 semaphore(%run_scoped3A : memref<!tpu.dma_semaphore, #tpu.memory_space<semaphore_mem>>) src(%arg14 : memref<512xf32, #tpu.memory_space<vmem>>) dst(%dma_wait3A_10 : memref<512xf32, #tpu.memory_space<hbm>>)
      tpu.yield
    }) : () -> ()
    return
  }
}

</mosaic_0001>

<sc_bundles>
// kernel: _w2vec_sc.3.cloned.1.call-start
scs
__scs_entry_jumppad:
0x0: {  	(pc) =	sbr.rel $0x88, $3  }
0x1: {  	(tag) =	ssettag $0x0;
	lr =	simm.s32 $0x1  }
0x2: {  	[smem:$0x3F9C] =	sst lr;
	_ =	strace $0xD0000000  }
0x3: {  	_ = 	snop  }
0x4: {  	_ = 	snop  }
0x5: {  	_ = 	snop  }
0x6: {  	_ = 	snop  }
0x7: {  	_ = 	snop  }
__scs_overlays_trampoline_lowered:
0x8: {  	[smem:$0x3FAB] =	sst s0  }
0x9: {  	[smem:$0x3FAC] =	sst s1  }
0xa: {  	[smem:$0x3FAD] =	sst s2  }
0xb: {  	[smem:$0x3FAE] =	sst s3  }
0xc: {  	[smem:$0x3FAF] =	sst s4  }
0xd: {  	[smem:$0x3FB0] =	sst s5  }
0xe: {  	[smem:$0x3FB1] =	sst s6  }
0xf: {  	[smem:$0x3FB2] =	sst s7  }
0x10: {  	[smem:$0x3FB3] =	sst s8  }
0x11: {  	[smem:$0x3FB4] =	sst s9;
	s0 =	simm.s32 @!p0 $0x0  }
0x12: {  	s1 =	sld [smem:$0x3F9A];
	s0 =	simm.s32 @p0 $0x1  }
0x13: {  	[smem:$0x3FB5] =	sst s0;
	s0 =	simm.s32 @!p1 $0x0  }
0x14: {  	s2 =	sld [smem:$0x3F99];
	s0 =	simm.s32 @p1 $0x1  }
0x15: {  	[smem:$0x3FB6] =	sst s0;
	s0 =	simm.s32 @!p2 $0x0  }
0x16: {  	s3 =	sld [smem:$0x3FDB];
	s0 =	simm.s32 @p2 $0x1  }
0x17: {  	s4 =	simm.s32 $0x1BF5;
	[smem:$0x3FB8] =	sst s0  }
0x18: {  	s0 =	sld [smem:$0x3F9B];
	_ =	swait.ge [sflag:s4], $0x0  }
0x19: {  	s7 =	sld [smem:$0x3F9C]  }
0x1a: {  	s8 =	sadd.s32 $0xFFFFE003, lr  }
0x1b: {  	s9 =	sadd.s32 $0xFFFFFEF7, lr;
	s5 =	simm.s32 $0xFFFFFFFF;
	p2 =	slt.u32 s8, $0xFFFFF086  }
0x1c: {  	p1 =	slt.u32 s9, $0xF7A;
	s5 =	simm.s32 @!p2 $0x0  }
0x1d: {  	s5 =	simm.s32 @p1 $0x1;
	p0 =	seq.s32 s7, s2  }
0x1e: {  	s7 =	smul.u32 @!p0 $0xF7A, s2;
	p2 =	seq.s32 @!p0 s5, $0x0  }
0x1f: {  	s9 =	smul.u32 $0xF7A, s1;
	s8 =	simm.s32 @!p0 $0x1BF5;
	p2 =	por !p2, p0  }
0x20: {  	[sflag:s8] =	ssyncset.s32 @!p0 $0xFFFFF086;
	s6 =	sadd.s32 @!p0 s3, s7;
	s7 =	simm.s32 @!p0 $0x108  }
0x21: {  	s3 =	sadd.s32 s3, s9;
	s6 =	sadd.s32 @!p0 $0x88, s6;
	s7 =	simm.s32 @p2 $0x1082  }
0x22: {  	[simem:s7], [sflag:s8] =	dma.local @!p0 [hbm:s6], $0xF7A  }
0x23: {  	s9 =	sor.u32 $0xD0000000, s2;
	s6 =	simm.s32 $0x108;
	_ =	swait.ge @!p0 [sflag:s8], $0x0  }
0x24: {  	s3 =	sadd.s32 $0x88, s3;
	s6 =	simm.s32 @!p1 $0x1082;
	[sflag:s4] =	ssyncset.s32 $0xFFFFF086  }
0x25: {  	[simem:s6], [sflag:s4] =	dma.local [hbm:s3], $0xF7A  }
0x26: {  	[smem:$0x3F9C] =	sst s1;
	(tag) =	ssettag s2;
	_ =	strace s9  }
0x27: {  	s1 =	sld [smem:$0x3FAC]  }
0x28: {  	s2 =	sld [smem:$0x3FAD]  }
0x29: {  	s4 =	sld [smem:$0x3FAF]  }
0x2a: {  	p0 =	seq.s32 s5, $0x0;
	s5 =	sld [smem:$0x3FB0]  }
0x2b: {  	s6 =	sld [smem:$0x3FB1]  }
0x2c: {  	s7 =	sld [smem:$0x3FB2]  }
0x2d: {  	s3 =	simm.s32 $0x108;
	s8 =	sld [smem:$0x3FB3]  }
0x2e: {  	s3 =	simm.s32 @!p0 $0x1082;
	s9 =	sld [smem:$0x3FB4]  }
0x2f: {  	lr =	sadd.s32 s0, s3;
	s0 =	sld [smem:$0x3FAB]  }
0x30: {  	s3 =	sld [smem:$0x3FAE]  }
0x31: {  	[smem:$0x3FB7] =	sst s10  }
0x32: {  	s10 =	sld [smem:$0x3FB5];
	_ =	sdelay $0x3  }
0x33: {  	p0 =	seq.s32 s10, $0x1;
	s10 =	sld [smem:$0x3FB7];
	_ =	sdelay $0x3  }
0x34: {  	[smem:$0x3FB7] =	sst s10  }
0x35: {  	s10 =	sld [smem:$0x3FB6];
	_ =	sdelay $0x3  }
0x36: {  	p1 =	seq.s32 s10, $0x1;
	s10 =	sld [smem:$0x3FB7];
	_ =	sdelay $0x3  }
0x37: {  	[smem:$0x3FB7] =	sst s10  }
0x38: {  	s10 =	sld [smem:$0x3FB8]  }
0x39: {  	_ = 	snop;
	(pc) =	sbr.ind lr, $3  }
0x3a: {  	_ = 	snop  }
0x3b: {  	_ = 	snop  }
0x3c: {  	p2 =	seq.s32 s10, $0x1;
	s10 =	sld [smem:$0x3FB7]  }
0x3d: {  	_ =	shalt  }
0x3e: {  	_ =	shalt  }
0x3f: {  	_ =	shalt  }
0x40: {  	_ =	shalt  }
0x41: {  	_ =	shalt  }
0x42: {  	_ =	shalt  }
0x43: {  	_ =	shalt  }
0x44: {  	_ =	shalt  }
0x45: {  	_ =	shalt  }
0x46: {  	_ =	shalt  }
0x47: {  	_ =	shalt  }
0x48: {  	_ =	shalt  }
0x49: {  	_ =	shalt  }
0x4a: {  	_ =	shalt  }
0x4b: {  	_ =	shalt  }
0x4c: {  	_ =	shalt  }
0x4d: {  	_ =	shalt  }
0x4e: {  	_ =	shalt  }
0x4f: {  	_ =	shalt  }
0x50: {  	_ =	shalt  }
0x51: {  	_ =	shalt  }
0x52: {  	_ =	shalt  }
0x53: {  	_ =	shalt  }
0x54: {  	_ =	shalt  }
0x55: {  	_ =	shalt  }
0x56: {  	_ =	shalt  }
0x57: {  	_ =	shalt  }
0x58: {  	_ =	shalt  }
0x59: {  	_ =	shalt  }
0x5a: {  	_ =	shalt  }
0x5b: {  	_ =	shalt  }
0x5c: {  	_ =	shalt  }
0x5d: {  	_ =	shalt  }
0x5e: {  	_ =	shalt  }
0x5f: {  	_ =	shalt  }
0x60: {  	_ =	shalt  }
0x61: {  	_ =	shalt  }
0x62: {  	_ =	shalt  }
0x63: {  	_ =	shalt  }
0x64: {  	_ =	shalt  }
0x65: {  	_ =	shalt  }
0x66: {  	_ =	shalt  }
0x67: {  	_ =	shalt  }
0x68: {  	_ =	shalt  }
0x69: {  	_ =	shalt  }
0x6a: {  	_ =	shalt  }
0x6b: {  	_ =	shalt  }
0x6c: {  	_ =	shalt  }
0x6d: {  	_ =	shalt  }
0x6e: {  	_ =	shalt  }
0x6f: {  	_ =	shalt  }
0x70: {  	_ =	shalt  }
0x71: {  	_ =	shalt  }
0x72: {  	_ =	shalt  }
0x73: {  	_ =	shalt  }
0x74: {  	_ =	shalt  }
0x75: {  	_ =	shalt  }
0x76: {  	_ =	shalt  }
0x77: {  	_ =	shalt  }
0x78: {  	_ =	shalt  }
0x79: {  	_ =	shalt  }
0x7a: {  	_ =	shalt  }
0x7b: {  	_ =	shalt  }
0x7c: {  	_ =	shalt  }
0x7d: {  	_ =	shalt  }
0x7e: {  	_ =	shalt  }
0x7f: {  	_ =	shalt  }
0x80: {  	_ =	shalt  }
0x81: {  	_ =	shalt  }
0x82: {  	_ =	shalt  }
0x83: {  	_ =	shalt  }
0x84: {  	_ =	shalt  }
0x85: {  	_ =	shalt  }
0x86: {  	_ =	shalt  }
0x87: {  	_ =	shalt  }
.Lfunc_end0:
.L_simem_size_0:
called_computation_lowered:
.L_overlay_start_0:
0x88: {  	s2 =	sld [smem:$0x3FD9]  }
0x89: {  	s3 =	sld [smem:$0x3FFE];
	_ =	sdelay $0x1  }
0x8a: {  	s1 =	srdreg.scid  }
0x8b: {  	s0 =	sand.u32 $0x1, s1  }
0x8c: {  	s18 =	sshll.u32 s0, $0xA;
	s2 =	sadd.s32 s3, s2  }
0x8d: {  	s2 =	sadd.s32 s2, s18  }
0x8e: {  	[smem:$0x3FC3] =	sst s2  }
0x8f: {  	_ = 	snop  }
0x90: {  	s2 =	sld [smem:$0x3FC9]  }
0x91: {  	s19 =	sld [smem:$0x3FC8]  }
0x92: {  	s4 =	sld [smem:$0x3FC7]  }
0x93: {  	s5 =	sld [smem:$0x3FC6]  }
0x94: {  	s6 =	sld [smem:$0x3FC5]  }
0x95: {  	s7 =	sld [smem:$0x3FD0];
	(tm) =	ssettm $0x1  }
0x96: {  	s8 =	sld [smem:$0x3FFB];
	_ =	sdelay $0x3  }
0x97: {  	_ =	strace s8  }
0x98: {  	s8 =	sld [smem:$0x3FFC];
	_ =	sdelay $0x3  }
0x99: {  	_ =	strace s8  }
0x9a: {  	s8 =	sld [smem:$0x3FFD];
	_ =	sdelay $0x3  }
0x9b: {  	_ =	strace s8  }
0x9c: {  	_ =	strace $0x8FFFFFFF  }
0x9d: {  	s20 =	sld [smem:$0x3FDB];
	_ =	sdelay $0x1  }
0x9e: {  	s9 =	simm.s32 $_scs_section_size  }
0x9f: {  	s10 =	simm.s32 $_size__tile_overlayer_lowered;
	s11 =	simm.s32 $_tile_overlayer_lowered  }
0xa0: {  	s23 =	simm.s32 $0x1BFF;
	s22 =	sshll.u32 s11, $0x1;
	s8 =	sadd.s32 s9, s20  }
0xa1: {  	s12 =	simm.s32 $0x0;
	s21 =	sshll.u32 s10, $0x1;
	s10 =	sadd.s32 s22, s8  }
0xa2: {  	[timem:s12], [sflag:s23] =	dma.local [hbm:s10], s21  }
0xa3: {  	_ =	swait.ge [sflag:s23], s21  }
0xa4: {  	s9 =	ssub.s32 $0x0, s21;
	[sflag:s23] =	ssyncset.done $0x0  }
0xa5: {  	[sflag:s23] =	ssyncadd.s32 s9;
	_ =	sdelay $0x1  }
0xa6: {  	s24 =	simm.s32 $0x1B8B  }
0xa7: {  	_ =	swait.ge [sflag:s24], $0x1  }
0xa8: {  	[sflag:s24] =	ssyncset.done $0x0  }
0xa9: {  	s25 =	simm.s32 $0x1B8E;
	[sflag:s24] =	ssyncadd.s32 $0xFFFFFFFF  }
0xaa: {  	s26 =	simm.s32 $execute0_lowered;
	[smem:$0x3FD2] =	sst s25  }
0xab: {  	s9 =	sshll.u32 s26, $0x1;
	_ =	strace $0x80000046;
	[dreg:$0x1] =	wrdreg $0xFFFFFFFF  }
0xac: {  	s28 =	simm.s32 $_size_execute0_lowered;
	s8 =	sadd.s32 s8, s9;
	[dreg:$0x0] =	wrdreg $0x0  }
0xad: {  	s9 =	sshll.u32 s28, $0x1;
	[dreg:$0x2] =	wrdreg s8  }
0xae: {  	[dreg:$0x3] =	wrdreg s9  }
0xaf: {  	[dreg:$0x4] =	wrdreg $0xC0  }
0xb0: {  	_ =	task [dreg:s12], $0x5FFFF  }
0xb1: {  	[dreg:$0x1] =	wrdreg $0xFFFFFFFF  }
0xb2: {  	[dreg:$0x0] =	wrdreg $0x60  }
0xb3: {  	[dreg:$0x2] =	wrdreg s2  }
0xb4: {  	[dreg:$0x3] =	wrdreg s19  }
0xb5: {  	[dreg:$0x4] =	wrdreg s4  }
0xb6: {  	[dreg:$0x5] =	wrdreg s5  }
0xb7: {  	[dreg:$0x6] =	wrdreg s6  }
0xb8: {  	[dreg:$0x7] =	wrdreg s7  }
0xb9: {  	[dreg:$0x8] =	wrdreg $0x9  }
0xba: {  	_ =	task.clear_ibuf [dreg:s12], $0x9FFFF;
	_ =	strace $0x90000046  }
0xbb: {  	s29 =	simm.s32 $0x9;
	_ =	strace $0x80000048  }
0xbc: {  	_ =	swait.ge [sflag:s29], $0x1  }
0xbd: {  	[sflag:s29] =	ssyncadd.s32 $0xFFFFFFFF  }
0xbe: {  	_ =	strace $0x90000048  }
0xbf: {  	_ =	sfence  }
0xc0: {  	s30 =	sld [smem:$0x0];
	_ =	sdelay $0x2  }
0xc1: {  	s31 =	sshll.u32 s1, $0xD;
	s1 =	sshrl.u32 s1, $0x2  }
0xc2: {  	s3 =	sand.u32 $0x4000, s31;
	s1 =	sadd.s32 s1, s30  }
0xc3: {  	s0 =	sor.u32 s3, s0;
	s1 =	sshll.u32 s1, $0x11  }
0xc4: {  	s0 =	sor.u32 s1, s0  }
0xc5: {  	s0 =	sadd.s32 $0x8F2B, s0  }
0xc6: {  	[sflag:s0] =	ssyncadd.remote.s32 $0x1  }
0xc7: {  	_ =	sfence.sel $0xFFFF  }
0xc8: {  	[dreg:$0x0] =	wrdreg $0xFFFFFFFF;
	(pc) =	sbr.abs _section_cstart, $3  }
0xc9: {  	[dreg:$0x1] =	wrdreg $0xFFFFFFFF  }
0xca: {  	_ =	task.clear_ibuf [dreg:s12], $0x2FFFF;
	_ =	strace $0x9FFFFFFF  }
0xcb: {  	(tm) =	ssettm $0x7FFFFFFF  }
tec
execute0_lowered:
.L_overlay_start_1:
0x0: {  	(tag) =	ssettag $0x1  }
0x1: {  	s0 =	rddreg [dreg:$0x0]  }
0x2: {  	s1 =	rddreg [dreg:$0x1]  }
0x3: {  	s2 =	rddreg [dreg:$0x2]  }
0x4: {  	s5 =	rddreg [dreg:$0x3]  }
0x5: {  	s6 =	rddreg [dreg:$0x4];
	s3 =	srdreg.scid  }
0x6: {  	s9 =	rddreg [dreg:$0x5];
	s4 =	stileid.u32;
	s7 =	simm.s32 $0x0  }
0x7: {  	s13 =	simm.s32 $0x200;
	s14 =	simm.s32 $0x4200;
	s15 =	simm.s32 $0x1  }
0x8: {  	s16 =	simm.s32 $0x2;
	s17 =	simm.s32 $0x8200;
	s18 =	simm.s32 $0x0  }
0x9: {  	s8 =	sand.u32 $0x1, s3;
	s3 =	rddreg [dreg:$0x6];
	s10 =	sshll.u32 s4, $0xA  }
0xa: {  	[smem:$0x7FF] =	sst s7;
	s11 =	sshll.u32 s8, $0x9;
	s12 =	ssub.s32 $0x2, s8  }
0xb: {  	_ =	strace $0x80000047;
	s8 =	sor.u32 s11, s10;
	s31 =	sshrl.u32 s12, $0x1  }
0xc: {  	v0 =	vlaneseq.u32;
	s11 =	sshrl.u32 s8, $0x3;
	s10 =	ssub.s32 s12, s31;
	s12 =	simm.s32 $0x80  }
0xd: {  	v0 =	vmul.u32 $0x80, v0;
	s9 =	sadd.s32 s9, s11;
	s10 =	smax.u32 s10, $0x1;
	s11 =	simm.s32 $0x3  }
.LBB2_1:
0xe: {  	s19 =	simm.s32 $0x8200;
	s20 =	simm.s32 $0x0  }
.LBB2_2:
0xf: {  	s21 =	sshll.u32 s20, $0x7  }
0x10: {  	s21 =	sor.u32 s8, s21  }
0x11: {  	s23 =	sshrl.u32 s21, $0x3  }
0x12: {  	s21 =	simm.s32 $0x0;
	s22 =	sadd.s32 s0, s23  }
0x13: {  	[tilespmem:s21], [sflag:$0x3] =	stream.linear.gather [hbm4b:s22+s21], $0x80, $0x38;
	[tilespmem:$0x8400] =	vst v63  }
0x14: {  	_ =	swait.ge [sflag:s11], $0x80  }
0x15: {  	[sflag:s11] =	ssyncset.done $0x0  }
0x16: {  	s30 =	sadd.s32 s1, s23;
	[sflag:s11] =	ssyncadd.s32 $0xFFFFFF80  }
0x17: {  	[tilespmem:s12], [sflag:$0x3] =	stream.linear.gather [hbm4b:s30+s21], $0x80, $0x38;
	[tilespmem:$0x8400] =	vst v63  }
0x18: {  	_ =	swait.ge [sflag:s11], $0x80  }
0x19: {  	[sflag:s11] =	ssyncset.done $0x0  }
0x1a: {  	s24 =	sadd.s32 s2, s23;
	s22 =	simm.s32 $0x100;
	[sflag:s11] =	ssyncadd.s32 $0xFFFFFF80  }
0x1b: {  	[tilespmem:s22], [sflag:$0x3] =	stream.linear.gather [hbm4b:s24+s21], $0x80, $0x38;
	[tilespmem:$0x8400] =	vst v63  }
0x1c: {  	_ =	swait.ge [sflag:s11], $0x80  }
0x1d: {  	[sflag:s11] =	ssyncset.done $0x0  }
0x1e: {  	s31 =	sadd.s32 s5, s23;
	s23 =	simm.s32 $0x180;
	[sflag:s11] =	ssyncadd.s32 $0xFFFFFF80  }
0x1f: {  	[tilespmem:s23], [sflag:$0x3] =	stream.linear.gather [hbm4b:s31+s21], $0x80, $0x38;
	[tilespmem:$0x8400] =	vst v63  }
0x20: {  	_ =	swait.ge [sflag:s11], $0x80  }
0x21: {  	[sflag:s11] =	ssyncset.done $0x0  }
0x22: {  	[sflag:s11] =	ssyncadd.s32 $0xFFFFFF80  }
0x23: {  	[tilespmem:s13], [sflag:$0x1] =	stream.indirect.gather [hbm4b:s6+s12], $0x80, s21, s12, $0xb8;
	[tilespmem:$0x8400] =	vst v63  }
0x24: {  	_ = 	snop  }
0x25: {  	[tilespmem:s14], [sflag:$0x2] =	stream.indirect.gather [hbm4b:s6+s12], $0x80, s12, s12, $0xb8;
	[tilespmem:$0x8400] =	vst v63  }
0x26: {  	_ =	swait.ge [sflag:s15], $0x4000  }
0x27: {  	[sflag:s15] =	ssyncset.done $0x0  }
0x28: {  	[sflag:s15] =	ssyncadd.s32 $0xFFFFC000  }
0x29: {  	_ =	swait.ge [sflag:s16], $0x4000  }
0x2a: {  	[sflag:s16] =	ssyncset.done $0x0  }
0x2b: {  	s24 =	smov.u32 s19;
	[sflag:s16] =	ssyncadd.s32 $0xFFFFC000  }
.LBB2_3:
0x2c: {  	v3 =	vld [tilespmem:s22+$0x0]  }
0x2d: {  	v2 =	vld [tilespmem:s23+$0x0];
	_ =	sdelay $0x1  }
0x2e: {  	v1 =	vmov s21  }
0x2f: {  	v1 =	vshll.u32 v1, $0x7  }
0x30: {  	v1 =	vor.u32 v0, v1;
	v4 =	vand.u32 $0xFFFFFF80, v3;
	v5 =	vand.u32 $0x7F, v3  }
0x31: {  	v45 =	vand.u32 $0xFFFFFF80, v2;
	v6 =	vand.u32 $0x7F, v2;
	v7 =	vadd.s32 $0x1, v3  }
0x32: {  	v8 =	vadd.s32 $0x1, v2;
	v50 =	vadd.s32 $0x2, v3;
	v12 =	vadd.s32 $0x2, v2  }
0x33: {  	v13 =	vadd.s32 $0x3, v3;
	v15 =	vadd.s32 $0x3, v2;
	v55 =	vadd.s32 $0x4, v3  }
0x34: {  	v16 =	vadd.s32 $0x4, v2;
	v59 =	vadd.s32 $0x5, v3;
	v61 =	vadd.s32 $0x5, v2  }
0x35: {  	v32 =	vadd.s32 $0x6, v3;
	v34 =	vadd.s32 $0x6, v2;
	v37 =	vadd.s32 $0x7, v3  }
0x36: {  	v39 =	vadd.s32 $0x7, v2;
	v41 =	vadd.s32 $0x8, v3;
	v19 =	vadd.s32 $0x9, v2  }
0x37: {  	v20 =	vadd.s32 $0xA, v2;
	v4 =	vadd.s32 v1, v4;
	v46 =	vand.u32 $0xFFFFFF80, v7  }
0x38: {  	v7 =	vand.u32 $0x7F, v7;
	v9 =	vand.u32 $0xFFFFFF80, v8;
	v47 =	vand.u32 $0x7F, v8  }
0x39: {  	v11 =	vand.u32 $0xFFFFFF80, v50;
	v51 =	vand.u32 $0xFFFFFF80, v12;
	v12 =	vand.u32 $0x7F, v12  }
0x3a: {  	v14 =	vand.u32 $0xFFFFFF80, v13;
	v13 =	vand.u32 $0x7F, v13;
	v53 =	vand.u32 $0xFFFFFF80, v15  }
0x3b: {  	v54 =	vand.u32 $0x7F, v15;
	v56 =	vand.u32 $0xFFFFFF80, v55;
	v15 =	vand.u32 $0x7F, v55  }
0x3c: {  	v4 =	vor.u32 v5, v4;
	v5 =	vadd.s32 v1, v45;
	v48 =	vadd.s32 v1, v9  }
0x3d: {  	v9 =	vand.u32 $0x7F, v50;
	v11 =	vadd.s32 v1, v11;
	v5 =	vor.u32 v6, v5  }
0x3e: {  	v17 =	vand.u32 $0xFFFFFF80, v16;
	v14 =	vadd.s32 v1, v14;
	v9 =	vor.u32 v9, v11  }
0x3f: {  	v57 =	vand.u32 $0x7F, v16;
	v6 =	vadd.s32 v1, v46;
	v52 =	vor.u32 v13, v14  }
0x40: {  	v60 =	vand.u32 $0xFFFFFF80, v59;
	v18 =	vand.u32 $0xFFFFFF80, v61;
	v6 =	vor.u32 v7, v6  }
0x41: {  	v62 =	vand.u32 $0x7F, v61;
	v11 =	vadd.s32 v1, v51;
	v7 =	vor.u32 v47, v48;
	v4 =	vld.idx.msk [tilespmem:v4+s13+$0x0], $0xffff  }
0x42: {  	v33 =	vand.u32 $0xFFFFFF80, v32;
	v13 =	vadd.s32 v1, v53;
	v11 =	vor.u32 v12, v11;
	v5 =	vld.idx.msk [tilespmem:v5+s14+$0x0], $0xffff  }
0x43: {  	v36 =	vand.u32 $0xFFFFFF80, v34;
	v14 =	vadd.s32 v1, v56;
	v13 =	vor.u32 v54, v13;
	v9 =	vld.idx.msk [tilespmem:v9+s13+$0x0], $0xffff  }
0x44: {  	v38 =	vand.u32 $0xFFFFFF80, v37;
	v58 =	vadd.s32 v1, v17;
	v14 =	vor.u32 v15, v14;
	v12 =	vld.idx.msk [tilespmem:v52+s13+$0x0], $0xffff  }
0x45: {  	v40 =	vand.u32 $0xFFFFFF80, v39;
	v43 =	vand.u32 $0xFFFFFF80, v41;
	v15 =	vor.u32 v57, v58;
	v6 =	vld.idx.msk [tilespmem:v6+s13+$0x0], $0xffff  }
0x46: {  	v44 =	vand.u32 $0x7F, v41;
	v16 =	vadd.s32 v1, v60;
	v45 =	vadd.s32 $0x8, v2;
	v7 =	vld.idx.msk [tilespmem:v7+s14+$0x0], $0xffff  }
0x47: {  	v63 =	vadd.s32 v1, v18;
	v50 =	vand.u32 $0xFFFFFF80, v19;
	v46 =	vand.u32 $0xFFFFFF80, v45;
	v11 =	vld.idx.msk [tilespmem:v11+s14+$0x0], $0xffff  }
0x48: {  	v51 =	vand.u32 $0x7F, v19;
	v47 =	vadd.s32 $0x9, v3;
	v54 =	vand.u32 $0x7F, v20;
	v13 =	vld.idx.msk [tilespmem:v13+s14+$0x0], $0xffff  }
0x49: {  	v48 =	vand.u32 $0xFFFFFF80, v47;
	v14 =	vld.idx.msk [tilespmem:v14+s13+$0x0], $0xffff;
	v49 =	vmul.f32 v5, v4;
	v4 =	vmul.f32 v4, v4  }
0x4a: {  	v17 =	vand.u32 $0x7F, v47;
	v15 =	vld.idx.msk [tilespmem:v15+s14+$0x0], $0xffff;
	v5 =	vmul.f32 v5, v5;
	v22 =	vmul.f32 v9, v9  }
0x4b: {  	v18 =	vadd.s32 v1, v48;
	v26 =	vmul.f32 v12, v12;
	v10 =	vmul.f32 v7, v6  }
0x4c: {  	v48 =	vadd.s32 $0xF, v3;
	v6 =	vmul.f32 v6, v6;
	v7 =	vmul.f32 v7, v7  }
0x4d: {  	v52 =	vadd.s32 $0xA, v3;
	v21 =	vmul.f32 v11, v9;
	v24 =	vmul.f32 v11, v11  }
0x4e: {  	v53 =	vand.u32 $0xFFFFFF80, v52;
	v25 =	vmul.f32 v13, v12;
	v27 =	vmul.f32 v13, v13  }
0x4f: {  	v19 =	vand.u32 $0x7F, v52;
	v28 =	vmul.f32 v15, v14;
	v30 =	vmul.f32 v14, v14  }
0x50: {  	v31 =	vmul.f32 v15, v15;
	v11 =	vand.u32 $0x7F, v34;
	v13 =	vand.u32 $0x7F, v37  }
0x51: {  	v14 =	vand.u32 $0x7F, v39;
	v15 =	vadd.s32 v1, v40;
	v34 =	vadd.s32 $0xC, v2  }
0x52: {  	v40 =	vadd.s32 $0xD, v2;
	v8 =	vadd.f32 $0.0e+00, v49;
	v42 =	vor.u32 v14, v15  }
0x53: {  	v14 =	vadd.s32 v1, v43;
	v15 =	vadd.s32 v1, v46;
	v49 =	vor.u32 v17, v18  }
0x54: {  	v17 =	vadd.s32 v1, v50;
	v18 =	vadd.s32 v1, v53;
	v37 =	vand.u32 $0x7F, v34  }
0x55: {  	v41 =	vand.u32 $0xFFFFFF80, v40;
	v46 =	vadd.s32 $0xE, v2;
	v50 =	vadd.s32 $0xF, v2  }
0x56: {  	v4 =	vadd.f32 v6, v4;
	v5 =	vadd.f32 v7, v5;
	v7 =	vand.u32 $0x7F, v32  }
0x57: {  	v14 =	vor.u32 v44, v14;
	v17 =	vor.u32 v51, v17;
	v18 =	vor.u32 v19, v18  }
0x58: {  	v32 =	vadd.s32 $0xC, v3;
	v47 =	vand.u32 $0xFFFFFF80, v46;
	v51 =	vand.u32 $0xFFFFFF80, v50  }
0x59: {  	v52 =	vand.u32 $0x7F, v50;
	v8 =	vadd.f32 v10, v8;
	v10 =	vand.u32 $0x7F, v59  }
0x5a: {  	v12 =	vand.u32 $0x7F, v32;
	v53 =	vadd.s32 v1, v51;
	v10 =	vor.u32 v10, v16  }
0x5b: {  	v16 =	vor.u32 v62, v63;
	v4 =	vadd.f32 v22, v4;
	v5 =	vadd.f32 v24, v5  }
0x5c: {  	v23 =	vadd.f32 v21, v8;
	v8 =	vadd.s32 v1, v33;
	v21 =	vand.u32 $0xFFFFFF80, v20  }
0x5d: {  	v33 =	vand.u32 $0xFFFFFF80, v32;
	v4 =	vadd.f32 v26, v4;
	v5 =	vadd.f32 v27, v5  }
0x5e: {  	v7 =	vor.u32 v7, v8;
	v8 =	vadd.s32 v1, v36;
	v55 =	vadd.s32 v1, v21;
	v57 =	vld.idx.msk [tilespmem:v49+s13+$0x0], $0xffff  }
0x5f: {  	v27 =	vadd.s32 $0xB, v3;
	v36 =	vand.u32 $0xFFFFFF80, v34;
	v49 =	vand.u32 $0xFFFFFF80, v48;
	v14 =	vld.idx.msk [tilespmem:v14+s13+$0x0], $0xffff  }
0x60: {  	v34 =	vadd.s32 $0x11, v2;
	v6 =	vadd.f32 v25, v23;
	v8 =	vor.u32 v11, v8;
	v59 =	vld.idx.msk [tilespmem:v17+s14+$0x0], $0xffff  }
0x61: {  	v11 =	vadd.s32 v1, v38;
	v19 =	vor.u32 v54, v55;
	v61 =	vld.idx.msk [tilespmem:v18+s13+$0x0], $0xffff;
	v38 =	vadd.s32 $0xD, v3  }
0x62: {  	v17 =	vand.u32 $0x7F, v46;
	v18 =	vand.u32 $0x7F, v48;
	v4 =	vadd.f32 v30, v4;
	v10 =	vld.idx.msk [tilespmem:v10+s13+$0x0], $0xffff  }
0x63: {  	v5 =	vadd.f32 v31, v5;
	v11 =	vor.u32 v13, v11;
	v30 =	vadd.s32 $0xB, v2;
	v29 =	vld.idx.msk [tilespmem:v16+s14+$0x0], $0xffff  }
0x64: {  	v13 =	vld.idx.msk [tilespmem:v42+s14+$0x0], $0xffff;
	v39 =	vand.u32 $0xFFFFFF80, v38;
	v42 =	vadd.s32 $0xE, v3;
	v6 =	vadd.f32 v28, v6  }
0x65: {  	v16 =	vand.u32 $0x7F, v45;
	v31 =	vand.u32 $0xFFFFFF80, v30;
	v44 =	vand.u32 $0xFFFFFF80, v42;
	v7 =	vld.idx.msk [tilespmem:v7+s13+$0x0], $0xffff  }
0x66: {  	v45 =	vand.u32 $0x7F, v42;
	v24 =	vmul.f32 v57, v57;
	v8 =	vld.idx.msk [tilespmem:v8+s14+$0x0], $0xffff;
	v21 =	vmul.f32 v14, v14  }
0x67: {  	v42 =	vadd.s32 $0x13, v3;
	v63 =	vld.idx.msk [tilespmem:v19+s14+$0x0], $0xffff;
	v23 =	vmul.f32 v59, v57;
	v25 =	vmul.f32 v59, v59  }
0x68: {  	v15 =	vor.u32 v16, v15;
	v28 =	vmul.f32 v61, v61;
	v11 =	vld.idx.msk [tilespmem:v11+s13+$0x0], $0xffff;
	v35 =	vmul.f32 v29, v10  }
0x69: {  	v16 =	vadd.s32 v1, v41;
	v62 =	vmul.f32 v13, v13;
	v10 =	vmul.f32 v10, v10  }
0x6a: {  	v9 =	vmul.f32 v29, v29;
	v29 =	vand.u32 $0xFFFFFF80, v27;
	v6 =	vadd.f32 v35, v6  }
0x6b: {  	v4 =	vadd.f32 v10, v4;
	v56 =	vmul.f32 v8, v7;
	v7 =	vmul.f32 v7, v7  }
0x6c: {  	v5 =	vadd.f32 v9, v5;
	v8 =	vmul.f32 v8, v8;
	v26 =	vmul.f32 v63, v61  }
0x6d: {  	v15 =	vld.idx.msk [tilespmem:v15+s14+$0x0], $0xffff;
	v9 =	vadd.s32 v1, v29;
	v10 =	vmul.f32 v63, v63;
	v58 =	vmul.f32 v13, v11  }
0x6e: {  	v60 =	vmul.f32 v11, v11;
	v11 =	vand.u32 $0x7F, v30;
	v13 =	vadd.s32 v1, v33  }
0x6f: {  	v30 =	vadd.s32 $0x11, v3;
	v6 =	vadd.f32 v56, v6;
	v4 =	vadd.f32 v7, v4  }
0x70: {  	v5 =	vadd.f32 v8, v5;
	v8 =	vand.u32 $0x7F, v27;
	v35 =	vor.u32 v12, v13  }
0x71: {  	v12 =	vadd.s32 v1, v36;
	v13 =	vadd.s32 v1, v39;
	v32 =	vand.u32 $0xFFFFFF80, v30  }
0x72: {  	v33 =	vand.u32 $0x7F, v30;
	v36 =	vadd.s32 $0x12, v3;
	v20 =	vmul.f32 v15, v14  }
0x73: {  	v22 =	vmul.f32 v15, v15;
	v8 =	vor.u32 v8, v9;
	v9 =	vadd.s32 v1, v31  }
0x74: {  	v12 =	vor.u32 v37, v12;
	v14 =	vand.u32 $0x7F, v38;
	v15 =	vand.u32 $0x7F, v40  }
0x75: {  	v37 =	vand.u32 $0xFFFFFF80, v36;
	v38 =	vadd.s32 $0x12, v2;
	v6 =	vadd.f32 v58, v6  }
0x76: {  	v4 =	vadd.f32 v60, v4;
	v5 =	vadd.f32 v62, v5;
	v9 =	vor.u32 v11, v9  }
0x77: {  	v13 =	vor.u32 v14, v13;
	v43 =	vor.u32 v15, v16;
	v15 =	vadd.s32 v1, v44  }
0x78: {  	v16 =	vadd.s32 v1, v47;
	v40 =	vand.u32 $0xFFFFFF80, v38;
	v41 =	vand.u32 $0x7F, v38  }
0x79: {  	v44 =	vadd.s32 $0x13, v2;
	v15 =	vor.u32 v45, v15;
	v16 =	vor.u32 v17, v16  }
0x7a: {  	v17 =	vadd.s32 v1, v49;
	v45 =	vand.u32 $0xFFFFFF80, v44;
	v46 =	vand.u32 $0x7F, v44  }
0x7b: {  	v44 =	vadd.s32 $0x18, v2;
	v6 =	vadd.f32 v20, v6;
	v4 =	vadd.f32 v21, v4  }
0x7c: {  	v5 =	vadd.f32 v22, v5;
	v17 =	vor.u32 v18, v17;
	v18 =	vor.u32 v52, v53  }
0x7d: {  	v47 =	vadd.s32 v1, v45;
	v52 =	vadd.s32 $0x14, v3;
	v11 =	vld.idx.msk [tilespmem:v35+s13+$0x0], $0xffff;
	v35 =	vand.u32 $0xFFFFFF80, v34  }
0x7e: {  	v49 =	vor.u32 v46, v47;
	v53 =	vand.u32 $0xFFFFFF80, v52;
	v6 =	vadd.f32 v23, v6;
	v8 =	vld.idx.msk [tilespmem:v8+s13+$0x0], $0xffff  }
0x7f: {  	v4 =	vadd.f32 v24, v4;
	v5 =	vadd.f32 v25, v5;
	v12 =	vld.idx.msk [tilespmem:v12+s14+$0x0], $0xffff;
	v25 =	vadd.s32 $0x10, v3  }
0x80: {  	v46 =	vand.u32 $0xFFFFFF80, v44;
	v47 =	vand.u32 $0x7F, v44;
	v9 =	vld.idx.msk [tilespmem:v9+s14+$0x0], $0xffff;
	v27 =	vand.u32 $0xFFFFFF80, v25  }
0x81: {  	v14 =	vld.idx.msk [tilespmem:v43+s14+$0x0], $0xffff;
	v43 =	vand.u32 $0xFFFFFF80, v42;
	v6 =	vadd.f32 v26, v6;
	v4 =	vadd.f32 v28, v4  }
0x82: {  	v5 =	vadd.f32 v10, v5;
	v55 =	vld.idx.msk [tilespmem:v15+s13+$0x0], $0xffff;
	v28 =	vadd.s32 $0x10, v2;
	v10 =	vadd.s32 v1, v27  }
0x83: {  	v57 =	vld.idx.msk [tilespmem:v16+s14+$0x0], $0xffff;
	v15 =	vand.u32 $0x7F, v36;
	v16 =	vadd.s32 v1, v37;
	v36 =	vadd.s32 $0x17, v3  }
0x84: {  	v61 =	vld.idx.msk [tilespmem:v17+s13+$0x0], $0xffff;
	v29 =	vand.u32 $0xFFFFFF80, v28;
	v39 =	vor.u32 v15, v16;
	v15 =	vadd.s32 v1, v40  }
0x85: {  	v63 =	vld.idx.msk [tilespmem:v18+s14+$0x0], $0xffff;
	v17 =	vand.u32 $0x7F, v42;
	v16 =	vadd.s32 v1, v43;
	v18 =	vadd.s32 v1, v53  }
0x86: {  	v13 =	vld.idx.msk [tilespmem:v13+s13+$0x0], $0xffff;
	v38 =	vand.u32 $0xFFFFFF80, v36;
	v40 =	vadd.s32 $0x17, v2;
	v42 =	vadd.s32 $0x18, v3  }
0x87: {  	v58 =	vmul.f32 v11, v11;
	v15 =	vor.u32 v41, v15;
	v16 =	vor.u32 v17, v16  }
0x88: {  	v17 =	vand.u32 $0x7F, v52;
	v41 =	vand.u32 $0xFFFFFF80, v40;
	v43 =	vand.u32 $0xFFFFFF80, v42  }
0x89: {  	v56 =	vmul.f32 v12, v11;
	v59 =	vmul.f32 v12, v12;
	v11 =	vand.u32 $0x7F, v28  }
0x8a: {  	v17 =	vor.u32 v17, v18;
	v54 =	vmul.f32 v9, v8;
	v8 =	vmul.f32 v8, v8  }
0x8b: {  	v18 =	vand.u32 $0x7F, v42;
	v9 =	vmul.f32 v9, v9;
	v60 =	vmul.f32 v14, v13  }
0x8c: {  	v19 =	vadd.s32 v1, v43;
	v62 =	vmul.f32 v13, v13;
	v20 =	vmul.f32 v14, v14  }
0x8d: {  	v13 =	vadd.s32 v1, v29;
	v14 =	vand.u32 $0x7F, v34;
	v29 =	vadd.s32 $0x15, v2  }
0x8e: {  	v34 =	vadd.s32 $0x16, v2;
	v45 =	vor.u32 v18, v19;
	v21 =	vmul.f32 v57, v55  }
0x8f: {  	v18 =	vadd.s32 v1, v46;
	v22 =	vmul.f32 v55, v55;
	v23 =	vmul.f32 v57, v57  }
0x90: {  	v31 =	vor.u32 v11, v13;
	v11 =	vadd.s32 v1, v32;
	v13 =	vadd.s32 v1, v35  }
0x91: {  	v12 =	vand.u32 $0x7F, v29;
	v32 =	vadd.s32 $0x16, v3;
	v35 =	vand.u32 $0xFFFFFF80, v34  }
0x92: {  	v18 =	vor.u32 v47, v18;
	v47 =	vadd.s32 $0x1E, v2;
	v6 =	vadd.f32 v54, v6  }
0x93: {  	v4 =	vadd.f32 v8, v4;
	v5 =	vadd.f32 v9, v5;
	v24 =	vmul.f32 v63, v61  }
0x94: {  	v26 =	vmul.f32 v61, v61;
	v8 =	vand.u32 $0x7F, v25;
	v11 =	vor.u32 v33, v11  }
0x95: {  	v13 =	vor.u32 v14, v13;
	v50 =	vmul.f32 v63, v63;
	v14 =	vld.idx.msk [tilespmem:v39+s13+$0x0], $0xffff;
	v54 =	vadd.s32 $0x14, v2  }
0x96: {  	v9 =	vld.idx.msk [tilespmem:v49+s14+$0x0], $0xffff;
	v33 =	vand.u32 $0xFFFFFF80, v32;
	v39 =	vand.u32 $0x7F, v36;
	v8 =	vor.u32 v8, v10  }
0x97: {  	v15 =	vld.idx.msk [tilespmem:v15+s14+$0x0], $0xffff;
	v55 =	vand.u32 $0xFFFFFF80, v54;
	v6 =	vadd.f32 v56, v6;
	v4 =	vadd.f32 v58, v4  }
0x98: {  	v16 =	vld.idx.msk [tilespmem:v16+s13+$0x0], $0xffff;
	v5 =	vadd.f32 v59, v5;
	v56 =	vand.u32 $0x7F, v54;
	v57 =	vadd.s32 v1, v55  }
0x99: {  	v63 =	vld.idx.msk [tilespmem:v17+s13+$0x0], $0xffff;
	v17 =	vand.u32 $0x7F, v40;
	v58 =	vor.u32 v56, v57;
	v6 =	vadd.f32 v60, v6  }
0x9a: {  	v4 =	vadd.f32 v62, v4;
	v5 =	vadd.f32 v20, v5;
	v10 =	vld.idx.msk [tilespmem:v31+s14+$0x0], $0xffff;
	v31 =	vand.u32 $0xFFFFFF80, v29  }
0x9b: {  	v29 =	vadd.s32 $0x1B, v2;
	v62 =	vmul.f32 v14, v14;
	v27 =	vmul.f32 v9, v9  }
0x9c: {  	v6 =	vadd.f32 v21, v6;
	v4 =	vadd.f32 v22, v4;
	v61 =	vmul.f32 v15, v14  }
0x9d: {  	v48 =	vld.idx.msk [tilespmem:v11+s13+$0x0], $0xffff;
	v5 =	vadd.f32 v23, v5;
	v23 =	vmul.f32 v15, v15;
	v25 =	vmul.f32 v16, v16  }
0x9e: {  	v13 =	vld.idx.msk [tilespmem:v13+s14+$0x0], $0xffff;
	v14 =	vand.u32 $0x7F, v32;
	v15 =	vand.u32 $0x7F, v34;
	v6 =	vadd.f32 v24, v6  }
0x9f: {  	v8 =	vld.idx.msk [tilespmem:v8+s13+$0x0], $0xffff;
	v53 =	vmul.f32 v63, v63;
	v4 =	vadd.f32 v26, v4;
	v5 =	vadd.f32 v50, v5  }
0xa0: {  	v24 =	vmul.f32 v9, v16;
	v11 =	vld.idx.msk [tilespmem:v58+s14+$0x0], $0xffff;
	v26 =	vadd.s32 $0x15, v3;
	v16 =	vadd.s32 v1, v35  }
0xa1: {  	v50 =	vadd.s32 $0x19, v2;
	v58 =	vld.idx.msk [tilespmem:v45+s13+$0x0], $0xffff;
	v45 =	vadd.s32 $0x1E, v3;
	v28 =	vand.u32 $0xFFFFFF80, v26  }
0xa2: {  	v37 =	vor.u32 v15, v16;
	v15 =	vadd.s32 v1, v38;
	v16 =	vadd.s32 v1, v41  }
0xa3: {  	v22 =	vand.u32 $0xFFFFFF80, v50;
	v46 =	vand.u32 $0xFFFFFF80, v45;
	v59 =	vmul.f32 v13, v48  }
0xa4: {  	v7 =	vmul.f32 v48, v48;
	v60 =	vmul.f32 v13, v13;
	v9 =	vadd.s32 v1, v28  }
0xa5: {  	v15 =	vor.u32 v39, v15;
	v16 =	vor.u32 v17, v16;
	v48 =	vadd.s32 $0x19, v3  }
0xa6: {  	v52 =	vadd.s32 v1, v22;
	v39 =	vadd.s32 $0x1D, v2;
	v51 =	vmul.f32 v10, v8  }
0xa7: {  	v8 =	vmul.f32 v8, v8;
	v10 =	vmul.f32 v10, v10;
	v49 =	vand.u32 $0xFFFFFF80, v48  }
0xa8: {  	v20 =	vand.u32 $0x7F, v48;
	v40 =	vand.u32 $0xFFFFFF80, v39;
	v41 =	vand.u32 $0x7F, v39  }
0xa9: {  	v48 =	vand.u32 $0xFFFFFF80, v47;
	v19 =	vadd.s32 v1, v49;
	v42 =	vadd.s32 v1, v40  }
0xaa: {  	v49 =	vand.u32 $0x7F, v47;
	v40 =	vadd.s32 $0x22, v2;
	v6 =	vadd.f32 v51, v6  }
0xab: {  	v4 =	vadd.f32 v8, v4;
	v5 =	vadd.f32 v10, v5;
	v8 =	vand.u32 $0x7F, v26  }
0xac: {  	v30 =	vmul.f32 v11, v63;
	v19 =	vor.u32 v20, v19;
	v51 =	vand.u32 $0x7F, v50  }
0xad: {  	v11 =	vmul.f32 v11, v11;
	v20 =	vadd.s32 $0x1A, v3;
	v44 =	vor.u32 v41, v42  }
0xae: {  	v50 =	vadd.s32 v1, v48;
	v41 =	vand.u32 $0xFFFFFF80, v40;
	v42 =	vand.u32 $0x7F, v40  }
0xaf: {  	v8 =	vor.u32 v8, v9;
	v9 =	vadd.s32 v1, v31;
	v55 =	vor.u32 v51, v52  }
0xb0: {  	v22 =	vand.u32 $0xFFFFFF80, v20;
	v31 =	vadd.s32 $0x1C, v3;
	v6 =	vadd.f32 v59, v6  }
0xb1: {  	v4 =	vadd.f32 v7, v4;
	v5 =	vadd.f32 v60, v5;
	v9 =	vor.u32 v12, v9  }
0xb2: {  	v12 =	vadd.s32 v1, v33;
	v7 =	vand.u32 $0x7F, v20;
	v32 =	vand.u32 $0xFFFFFF80, v31  }
0xb3: {  	v54 =	vld.idx.msk [tilespmem:v15+s13+$0x0], $0xffff;
	v13 =	vand.u32 $0x7F, v31;
	v33 =	vadd.s32 $0x1C, v2;
	v20 =	vadd.s32 $0x25, v2  }
0xb4: {  	v59 =	vld.idx.msk [tilespmem:v18+s14+$0x0], $0xffff;
	v12 =	vor.u32 v14, v12;
	v35 =	vand.u32 $0xFFFFFF80, v33;
	v36 =	vand.u32 $0x7F, v33  }
0xb5: {  	v14 =	vld.idx.msk [tilespmem:v37+s14+$0x0], $0xffff;
	v37 =	vadd.s32 $0x1D, v3;
	v6 =	vadd.f32 v61, v6;
	v4 =	vadd.f32 v62, v4  }
0xb6: {  	v5 =	vadd.f32 v23, v5;
	v23 =	vadd.s32 $0x1A, v2;
	v38 =	vand.u32 $0xFFFFFF80, v37  }
0xb7: {  	v10 =	vand.u32 $0x7F, v23;
	v6 =	vadd.f32 v24, v6;
	v4 =	vadd.f32 v25, v4  }
0xb8: {  	v61 =	vld.idx.msk [tilespmem:v19+s13+$0x0], $0xffff;
	v5 =	vadd.f32 v27, v5;
	v24 =	vand.u32 $0xFFFFFF80, v23;
	v15 =	vmul.f32 v54, v54  }
0xb9: {  	v8 =	vld.idx.msk [tilespmem:v8+s13+$0x0], $0xffff;
	v25 =	vadd.s32 $0x1B, v3;
	v17 =	vmul.f32 v59, v58;
	v18 =	vmul.f32 v59, v59  }
0xba: {  	v63 =	vld.idx.msk [tilespmem:v55+s14+$0x0], $0xffff;
	v27 =	vand.u32 $0xFFFFFF80, v25;
	v28 =	vand.u32 $0x7F, v25;
	v6 =	vadd.f32 v30, v6  }
0xbb: {  	v9 =	vld.idx.msk [tilespmem:v9+s14+$0x0], $0xffff;
	v4 =	vadd.f32 v53, v4;
	v5 =	vadd.f32 v11, v5;
	v62 =	vmul.f32 v14, v14  }
0xbc: {  	v12 =	vld.idx.msk [tilespmem:v12+s13+$0x0], $0xffff;
	v11 =	vadd.s32 v1, v24;
	v30 =	vand.u32 $0xFFFFFF80, v29;
	v24 =	vadd.s32 $0x1F, v2  }
0xbd: {  	v26 =	vor.u32 v10, v11;
	v10 =	vadd.s32 v1, v27;
	v11 =	vadd.s32 v1, v30  }
0xbe: {  	v25 =	vand.u32 $0xFFFFFF80, v24;
	v30 =	vadd.s32 $0x20, v2;
	v21 =	vmul.f32 v61, v61  }
0xbf: {  	v16 =	vld.idx.msk [tilespmem:v16+s14+$0x0], $0xffff;
	v10 =	vor.u32 v28, v10;
	v57 =	vmul.f32 v8, v8;
	v19 =	vmul.f32 v63, v61  }
0xc0: {  	v31 =	vand.u32 $0xFFFFFF80, v30;
	v56 =	vmul.f32 v9, v8;
	v9 =	vmul.f32 v9, v9  }
0xc1: {  	v8 =	vmul.f32 v58, v58;
	v4 =	vadd.f32 v57, v4;
	v60 =	vmul.f32 v14, v12  }
0xc2: {  	v12 =	vmul.f32 v12, v12;
	v14 =	vmul.f32 v63, v63;
	v6 =	vadd.f32 v56, v6  }
0xc3: {  	v5 =	vadd.f32 v9, v5;
	v9 =	vadd.s32 v1, v22;
	v22 =	vand.u32 $0xFFFFFF80, v20  }
0xc4: {  	v4 =	vadd.f32 v12, v4;
	v12 =	vmul.f32 v16, v54;
	v16 =	vmul.f32 v16, v16  }
0xc5: {  	v7 =	vor.u32 v7, v9;
	v9 =	vld.idx.msk [tilespmem:v26+s14+$0x0], $0xffff;
	v26 =	vadd.s32 $0x20, v3;
	v6 =	vadd.f32 v60, v6  }
0xc6: {  	v5 =	vadd.f32 v62, v5;
	v62 =	vadd.s32 $0x1F, v3;
	v28 =	vand.u32 $0xFFFFFF80, v26  }
0xc7: {  	v4 =	vadd.f32 v15, v4;
	v15 =	vadd.s32 v1, v32;
	v23 =	vand.u32 $0xFFFFFF80, v62  }
0xc8: {  	v32 =	vadd.s32 $0x21, v3;
	v6 =	vadd.f32 v12, v6;
	v5 =	vadd.f32 v16, v5  }
0xc9: {  	v43 =	vld.idx.msk [tilespmem:v10+s13+$0x0], $0xffff;
	v12 =	vand.u32 $0x7F, v29;
	v34 =	vor.u32 v13, v15;
	v13 =	vadd.s32 v1, v35  }
0xca: {  	v10 =	vld.idx.msk [tilespmem:v44+s14+$0x0], $0xffff;
	v16 =	vand.u32 $0x7F, v37;
	v15 =	vadd.s32 v1, v38;
	v29 =	vand.u32 $0x7F, v26  }
0xcb: {  	v33 =	vand.u32 $0xFFFFFF80, v32;
	v38 =	vadd.s32 $0x22, v3;
	v26 =	vadd.s32 $0x26, v2  }
0xcc: {  	v4 =	vadd.f32 v8, v4;
	v11 =	vor.u32 v12, v11;
	v13 =	vor.u32 v36, v13  }
0xcd: {  	v15 =	vor.u32 v16, v15;
	v16 =	vand.u32 $0x7F, v45;
	v39 =	vand.u32 $0xFFFFFF80, v38  }
0xce: {  	v6 =	vadd.f32 v17, v6;
	v5 =	vadd.f32 v18, v5;
	v7 =	vld.idx.msk [tilespmem:v7+s13+$0x0], $0xffff;
	v17 =	vadd.s32 v1, v46  }
0xcf: {  	v8 =	vmul.f32 v43, v43;
	v61 =	vmul.f32 v10, v10;
	v16 =	vor.u32 v16, v17  }
0xd0: {  	v18 =	vand.u32 $0x7F, v38;
	v4 =	vadd.f32 v21, v4;
	v17 =	vor.u32 v49, v50  }
0xd1: {  	v49 =	vadd.s32 $0x23, v3;
	v6 =	vadd.f32 v19, v6;
	v12 =	vld.idx.msk [tilespmem:v34+s13+$0x0], $0xffff;
	v34 =	vadd.s32 $0x21, v2  }
0xd2: {  	v5 =	vadd.f32 v14, v5;
	v14 =	vadd.s32 v1, v25;
	v11 =	vld.idx.msk [tilespmem:v11+s14+$0x0], $0xffff;
	v36 =	vand.u32 $0xFFFFFF80, v34  }
0xd3: {  	v13 =	vld.idx.msk [tilespmem:v13+s14+$0x0], $0xffff;
	v37 =	vand.u32 $0x7F, v34;
	v34 =	vadd.s32 $0x28, v3;
	v51 =	vmul.f32 v9, v7  }
0xd4: {  	v7 =	vmul.f32 v7, v7;
	v9 =	vmul.f32 v9, v9;
	v55 =	vld.idx.msk [tilespmem:v16+s13+$0x0], $0xffff;
	v16 =	vand.u32 $0x7F, v32  }
0xd5: {  	v57 =	vld.idx.msk [tilespmem:v17+s14+$0x0], $0xffff;
	v17 =	vadd.s32 v1, v33;
	v32 =	vadd.s32 $0x27, v2;
	v6 =	vadd.f32 v51, v6  }
0xd6: {  	v15 =	vld.idx.msk [tilespmem:v15+s13+$0x0], $0xffff;
	v4 =	vadd.f32 v7, v4;
	v5 =	vadd.f32 v9, v5;
	v35 =	vor.u32 v16, v17  }
0xd7: {  	v16 =	vadd.s32 v1, v36;
	v17 =	vadd.s32 v1, v39;
	v51 =	vand.u32 $0xFFFFFF80, v49  }
0xd8: {  	v33 =	vand.u32 $0xFFFFFF80, v32;
	v36 =	vand.u32 $0x7F, v34;
	v56 =	vmul.f32 v12, v12  }
0xd9: {  	v16 =	vor.u32 v37, v16;
	v17 =	vor.u32 v18, v17;
	v52 =	vmul.f32 v11, v43  }
0xda: {  	v18 =	vadd.s32 $0x25, v3;
	v53 =	vmul.f32 v11, v11;
	v54 =	vmul.f32 v13, v12  }
0xdb: {  	v4 =	vadd.f32 v8, v4;
	v58 =	vmul.f32 v13, v13;
	v59 =	vmul.f32 v10, v15  }
0xdc: {  	v60 =	vmul.f32 v15, v15;
	v8 =	vand.u32 $0x7F, v62;
	v12 =	vadd.s32 v1, v23  }
0xdd: {  	v13 =	vand.u32 $0x7F, v24;
	v15 =	vand.u32 $0x7F, v30;
	v43 =	vadd.s32 v1, v41  }
0xde: {  	v10 =	vadd.s32 v1, v51;
	v62 =	vadd.s32 $0x24, v3;
	v19 =	vand.u32 $0xFFFFFF80, v18  }
0xdf: {  	v23 =	vand.u32 $0x7F, v20;
	v24 =	vadd.s32 $0x26, v3;
	v8 =	vor.u32 v8, v12  }
0xe0: {  	v27 =	vor.u32 v13, v14;
	v13 =	vadd.s32 v1, v28;
	v14 =	vadd.s32 v1, v31  }
0xe1: {  	v46 =	vor.u32 v42, v43;
	v25 =	vand.u32 $0xFFFFFF80, v24;
	v6 =	vadd.f32 v52, v6  }
0xe2: {  	v28 =	vadd.s32 $0x27, v3;
	v5 =	vadd.f32 v53, v5;
	v4 =	vadd.f32 v56, v4  }
0xe3: {  	v63 =	vmul.f32 v57, v55;
	v13 =	vor.u32 v29, v13;
	v14 =	vor.u32 v15, v14  }
0xe4: {  	v44 =	vmul.f32 v55, v55;
	v9 =	vmul.f32 v57, v57;
	v15 =	vand.u32 $0x7F, v49  }
0xe5: {  	v30 =	vand.u32 $0xFFFFFF80, v28;
	v31 =	vand.u32 $0x7F, v28;
	v28 =	vadd.s32 $0x2C, v3;
	v48 =	vld.idx.msk [tilespmem:v35+s13+$0x0], $0xffff  }
0xe6: {  	v10 =	vor.u32 v15, v10;
	v15 =	vand.u32 $0xFFFFFF80, v62;
	v35 =	vand.u32 $0xFFFFFF80, v34;
	v50 =	vld.idx.msk [tilespmem:v16+s14+$0x0], $0xffff  }
0xe7: {  	v34 =	vadd.s32 $0x2D, v3;
	v6 =	vadd.f32 v54, v6;
	v5 =	vadd.f32 v58, v5;
	v52 =	vld.idx.msk [tilespmem:v17+s13+$0x0], $0xffff  }
0xe8: {  	v4 =	vadd.f32 v60, v4;
	v60 =	vadd.s32 $0x23, v2;
	v16 =	vadd.s32 $0x24, v2;
	v8 =	vld.idx.msk [tilespmem:v8+s13+$0x0], $0xffff  }
0xe9: {  	v37 =	vadd.s32 v1, v35;
	v35 =	vand.u32 $0xFFFFFF80, v34;
	v17 =	vand.u32 $0xFFFFFF80, v16;
	v12 =	vld.idx.msk [tilespmem:v27+s14+$0x0], $0xffff  }
0xea: {  	v38 =	vor.u32 v36, v37;
	v36 =	vand.u32 $0x7F, v34;
	v6 =	vadd.f32 v59, v6;
	v13 =	vld.idx.msk [tilespmem:v13+s13+$0x0], $0xffff  }
0xeb: {  	v37 =	vadd.s32 $0x2D, v2;
	v5 =	vadd.f32 v61, v5;
	v4 =	vadd.f32 v44, v4;
	v45 =	vld.idx.msk [tilespmem:v14+s14+$0x0], $0xffff  }
0xec: {  	v61 =	vand.u32 $0xFFFFFF80, v60;
	v27 =	vand.u32 $0xFFFFFF80, v26;
	v14 =	vld.idx.msk [tilespmem:v46+s14+$0x0], $0xffff;
	v46 =	vadd.s32 $0x28, v2  }
0xed: {  	v6 =	vadd.f32 v63, v6;
	v5 =	vadd.f32 v9, v5;
	v7 =	vmul.f32 v48, v48  }
0xee: {  	v57 =	vld.idx.msk [tilespmem:v10+s13+$0x0], $0xffff;
	v10 =	vand.u32 $0x7F, v62;
	v55 =	vmul.f32 v50, v48;
	v9 =	vmul.f32 v50, v50  }
0xef: {  	v62 =	vadd.s32 $0x2B, v2;
	v58 =	vmul.f32 v52, v52;
	v47 =	vmul.f32 v12, v8  }
0xf0: {  	v48 =	vand.u32 $0xFFFFFF80, v46;
	v8 =	vmul.f32 v8, v8;
	v12 =	vmul.f32 v12, v12  }
0xf1: {  	v50 =	vadd.s32 $0x29, v3;
	v53 =	vmul.f32 v45, v13;
	v54 =	vmul.f32 v13, v13  }
0xf2: {  	v51 =	vand.u32 $0xFFFFFF80, v50;
	v11 =	vmul.f32 v45, v45;
	v56 =	vmul.f32 v14, v52  }
0xf3: {  	v59 =	vmul.f32 v14, v14;
	v13 =	vand.u32 $0x7F, v18;
	v14 =	vadd.s32 v1, v19  }
0xf4: {  	v18 =	vand.u32 $0x7F, v32;
	v52 =	vadd.s32 $0x29, v2;
	v6 =	vadd.f32 v47, v6  }
0xf5: {  	v4 =	vadd.f32 v8, v4;
	v5 =	vadd.f32 v12, v5;
	v63 =	vmul.f32 v57, v57  }
0xf6: {  	v12 =	vand.u32 $0x7F, v16;
	v21 =	vor.u32 v13, v14;
	v13 =	vadd.s32 v1, v22  }
0xf7: {  	v14 =	vadd.s32 v1, v25;
	v16 =	vand.u32 $0x7F, v26;
	v26 =	vand.u32 $0xFFFFFF80, v62  }
0xf8: {  	v13 =	vor.u32 v23, v13;
	v6 =	vadd.f32 v53, v6;
	v4 =	vadd.f32 v54, v4  }
0xf9: {  	v5 =	vadd.f32 v11, v5;
	v11 =	vadd.s32 v1, v15;
	v15 =	vand.u32 $0x7F, v24  }
0xfa: {  	v53 =	vand.u32 $0xFFFFFF80, v52;
	v54 =	vadd.s32 $0x2A, v3;
	v10 =	vor.u32 v10, v11  }
0xfb: {  	v11 =	vadd.s32 v1, v17;
	v17 =	vadd.s32 v1, v27;
	v14 =	vor.u32 v15, v14  }
0xfc: {  	v27 =	vand.u32 $0x7F, v62;
	v62 =	vadd.s32 $0x2F, v2;
	v6 =	vadd.f32 v55, v6  }
0xfd: {  	v4 =	vadd.f32 v7, v4;
	v5 =	vadd.f32 v9, v5;
	v7 =	vand.u32 $0x7F, v60  }
0xfe: {  	v9 =	vadd.s32 v1, v61;
	v11 =	vor.u32 v12, v11;
	v29 =	vor.u32 v16, v17  }
0xff: {  	v16 =	vadd.s32 v1, v30;
	v17 =	vadd.s32 v1, v33;
	v60 =	vadd.s32 $0x2B, v3  }
0x100: {  	v30 =	vadd.s32 $0x2C, v2;
	v7 =	vor.u32 v7, v9;
	v16 =	vor.u32 v31, v16  }
0x101: {  	v12 =	vld.idx.msk [tilespmem:v21+s13+$0x0], $0xffff;
	v17 =	vor.u32 v18, v17;
	v9 =	vand.u32 $0x7F, v50;
	v61 =	vand.u32 $0xFFFFFF80, v60  }
0x102: {  	v31 =	vand.u32 $0x7F, v28;
	v32 =	vand.u32 $0xFFFFFF80, v30;
	v33 =	vand.u32 $0x7F, v30;
	v13 =	vld.idx.msk [tilespmem:v13+s14+$0x0], $0xffff  }
0x103: {  	v6 =	vadd.f32 v56, v6;
	v4 =	vadd.f32 v58, v4;
	v58 =	vadd.s32 $0x2A, v2;
	v10 =	vld.idx.msk [tilespmem:v10+s13+$0x0], $0xffff  }
0x104: {  	v5 =	vadd.f32 v59, v5;
	v56 =	vand.u32 $0xFFFFFF80, v54;
	v59 =	vand.u32 $0xFFFFFF80, v58;
	v23 =	vld.idx.msk [tilespmem:v14+s13+$0x0], $0xffff  }
0x105: {  	v15 =	vand.u32 $0x7F, v58;
	v4 =	vadd.f32 v63, v4;
	v14 =	vadd.s32 v1, v53;
	v11 =	vld.idx.msk [tilespmem:v11+s14+$0x0], $0xffff  }
0x106: {  	v18 =	vld.idx.msk [tilespmem:v29+s14+$0x0], $0xffff;
	v29 =	vand.u32 $0xFFFFFF80, v28;
	v28 =	vadd.s32 $0x30, v2;
	v41 =	vmul.f32 v12, v12  }
0x107: {  	v42 =	vmul.f32 v13, v13;
	v12 =	vmul.f32 v13, v12;
	v13 =	vand.u32 $0x7F, v52  }
0x108: {  	v7 =	vld.idx.msk [tilespmem:v7+s14+$0x0], $0xffff;
	v55 =	vor.u32 v13, v14;
	v13 =	vadd.s32 v1, v56;
	v14 =	vadd.s32 v1, v59  }
0x109: {  	v39 =	vmul.f32 v10, v10;
	v43 =	vmul.f32 v23, v23;
	v63 =	vor.u32 v15, v14  }
0x10a: {  	v14 =	vadd.s32 v1, v26;
	v15 =	vadd.s32 v1, v29;
	v40 =	vmul.f32 v11, v11  }
0x10b: {  	v29 =	vand.u32 $0xFFFFFF80, v28;
	v10 =	vmul.f32 v11, v10;
	v44 =	vmul.f32 v18, v18  }
0x10c: {  	v11 =	vld.idx.msk [tilespmem:v17+s14+$0x0], $0xffff;
	v17 =	vadd.s32 v1, v61;
	v19 =	vor.u32 v27, v14;
	v23 =	vmul.f32 v18, v23  }
0x10d: {  	v8 =	vmul.f32 v7, v57;
	v7 =	vmul.f32 v7, v7;
	v4 =	vadd.f32 v39, v4  }
0x10e: {  	v57 =	vand.u32 $0x7F, v54;
	v39 =	vand.u32 $0x7F, v37;
	v54 =	vadd.s32 $0x2E, v2  }
0x10f: {  	v13 =	vor.u32 v57, v13;
	v56 =	vand.u32 $0xFFFFFF80, v54;
	v6 =	vadd.f32 v8, v6  }
0x110: {  	v57 =	vadd.s32 $0x2F, v3;
	v5 =	vadd.f32 v7, v5;
	v4 =	vadd.f32 v41, v4  }
0x111: {  	v8 =	vld.idx.msk [tilespmem:v16+s13+$0x0], $0xffff;
	v7 =	vand.u32 $0x7F, v46;
	v16 =	vand.u32 $0x7F, v60;
	v60 =	vand.u32 $0xFFFFFF80, v57  }
0x112: {  	v22 =	vld.idx.msk [tilespmem:v55+s14+$0x0], $0xffff;
	v61 =	vand.u32 $0x7F, v57;
	v16 =	vor.u32 v16, v17;
	v6 =	vadd.f32 v10, v6  }
0x113: {  	v17 =	vadd.s32 v1, v32;
	v32 =	vadd.s32 $0x31, v2;
	v5 =	vadd.f32 v40, v5  }
0x114: {  	v25 =	vld.idx.msk [tilespmem:v63+s14+$0x0], $0xffff;
	v4 =	vadd.f32 v43, v4;
	v6 =	vadd.f32 v12, v6;
	v12 =	vadd.s32 v1, v48  }
0x115: {  	v10 =	vld.idx.msk [tilespmem:v38+s13+$0x0], $0xffff;
	v47 =	vmul.f32 v11, v11;
	v7 =	vor.u32 v7, v12;
	v12 =	vadd.s32 v1, v51  }
0x116: {  	v38 =	vand.u32 $0xFFFFFF80, v37;
	v21 =	vld.idx.msk [tilespmem:v19+s14+$0x0], $0xffff;
	v5 =	vadd.f32 v42, v5;
	v9 =	vor.u32 v9, v12  }
0x117: {  	v42 =	vadd.s32 $0x2E, v3;
	v45 =	vmul.f32 v8, v8;
	v40 =	vmul.f32 v22, v22  }
0x118: {  	v8 =	vmul.f32 v11, v8;
	v5 =	vadd.f32 v44, v5;
	v12 =	vor.u32 v33, v17  }
0x119: {  	v17 =	vadd.s32 v1, v35;
	v20 =	vld.idx.msk [tilespmem:v16+s13+$0x0], $0xffff;
	v44 =	vand.u32 $0xFFFFFF80, v42;
	v6 =	vadd.f32 v23, v6  }
0x11a: {  	v33 =	vand.u32 $0xFFFFFF80, v32;
	v4 =	vadd.f32 v45, v4;
	v49 =	vmul.f32 v10, v10;
	v7 =	vld.idx.msk [tilespmem:v7+s14+$0x0], $0xffff  }
0x11b: {  	v45 =	vmul.f32 v25, v25;
	v5 =	vadd.f32 v47, v5;
	v47 =	vmul.f32 v21, v21;
	v14 =	vld.idx.msk [tilespmem:v9+s13+$0x0], $0xffff  }
0x11c: {  	v50 =	vadd.f32 v8, v6;
	v6 =	vadd.s32 v1, v60;
	v9 =	vor.u32 v31, v15;
	v15 =	vld.idx.msk [tilespmem:v13+s13+$0x0], $0xffff  }
0x11d: {  	v4 =	vadd.f32 v49, v4;
	v6 =	vor.u32 v61, v6;
	v13 =	vor.u32 v36, v17;
	v18 =	vld.idx.msk [tilespmem:v12+s14+$0x0], $0xffff  }
0x11e: {  	v17 =	vadd.s32 v1, v38;
	v12 =	vadd.s32 v1, v44;
	v36 =	vadd.s32 $0x32, v2  }
0x11f: {  	v46 =	vmul.f32 v20, v20;
	v41 =	vor.u32 v39, v17;
	v37 =	vand.u32 $0xFFFFFF80, v36  }
0x120: {  	v38 =	vand.u32 $0x7F, v36;
	v39 =	vadd.s32 v1, v37;
	v24 =	vmul.f32 v7, v7  }
0x121: {  	v37 =	vadd.s32 $0x35, v3;
	v53 =	vmul.f32 v7, v10;
	v26 =	vmul.f32 v14, v14  }
0x122: {  	v7 =	vand.u32 $0x7F, v54;
	v43 =	vmul.f32 v15, v15;
	v49 =	vmul.f32 v18, v18  }
0x123: {  	v16 =	vld.idx.msk [tilespmem:v9+s13+$0x0], $0xffff;
	v9 =	vand.u32 $0x7F, v42;
	v22 =	vmul.f32 v22, v14;
	v25 =	vmul.f32 v25, v15  }
0x124: {  	v17 =	vld.idx.msk [tilespmem:v13+s13+$0x0], $0xffff;
	v5 =	vadd.f32 v24, v5;
	v9 =	vor.u32 v9, v12;
	v12 =	vand.u32 $0xFFFFFF80, v62  }
0x125: {  	v19 =	vld.idx.msk [tilespmem:v41+s14+$0x0], $0xffff;
	v23 =	vadd.f32 v53, v50;
	v4 =	vadd.f32 v26, v4;
	v26 =	vadd.s32 $0x30, v3  }
0x126: {  	v5 =	vadd.f32 v40, v5;
	v27 =	vand.u32 $0xFFFFFF80, v26;
	v11 =	vand.u32 $0x7F, v26  }
0x127: {  	v26 =	vadd.s32 v1, v29;
	v29 =	vadd.s32 $0x32, v3;
	v22 =	vadd.f32 v22, v23  }
0x128: {  	v4 =	vadd.f32 v43, v4;
	v34 =	vand.u32 $0x7F, v29;
	v43 =	vadd.s32 $0x33, v2  }
0x129: {  	v5 =	vadd.f32 v45, v5;
	v48 =	vmul.f32 v16, v16;
	v52 =	vmul.f32 v17, v17  }
0x12a: {  	v16 =	vmul.f32 v18, v16;
	v4 =	vadd.f32 v46, v4;
	v55 =	vmul.f32 v19, v19  }
0x12b: {  	v46 =	vand.u32 $0xFFFFFF80, v43;
	v17 =	vmul.f32 v19, v17;
	v5 =	vadd.f32 v47, v5  }
0x12c: {  	v47 =	vadd.s32 v1, v46;
	v51 =	vadd.f32 v48, v4;
	v4 =	vld.idx.msk [tilespmem:v9+s13+$0x0], $0xffff;
	v9 =	vadd.s32 v1, v56  }
0x12d: {  	v5 =	vadd.f32 v49, v5;
	v59 =	vor.u32 v7, v9;
	v9 =	vand.u32 $0x7F, v62  }
0x12e: {  	v7 =	vadd.s32 v1, v12;
	v12 =	vand.u32 $0x7F, v28;
	v62 =	vadd.s32 $0x34, v2  }
0x12f: {  	v8 =	vadd.f32 v52, v51;
	v7 =	vor.u32 v9, v7;
	v9 =	vadd.s32 v1, v27  }
0x130: {  	v6 =	vld.idx.msk [tilespmem:v6+s13+$0x0], $0xffff;
	v27 =	vadd.s32 $0x31, v3;
	v26 =	vor.u32 v12, v26;
	v36 =	vand.u32 $0xFFFFFF80, v62  }
0x131: {  	v58 =	vadd.f32 v55, v5;
	v11 =	vor.u32 v11, v9;
	v30 =	vand.u32 $0xFFFFFF80, v27  }
0x132: {  	v31 =	vand.u32 $0x7F, v27;
	v27 =	vand.u32 $0x7F, v32;
	v9 =	vadd.s32 v1, v30  }
0x133: {  	v30 =	vand.u32 $0xFFFFFF80, v29;
	v63 =	vmul.f32 v4, v4;
	v28 =	vor.u32 v31, v9  }
0x134: {  	v9 =	vadd.s32 v1, v33;
	v35 =	vadd.s32 v1, v30;
	v31 =	vadd.s32 $0x33, v3  }
0x135: {  	v30 =	vor.u32 v38, v39;
	v33 =	vmul.f32 v6, v6;
	v38 =	vand.u32 $0xFFFFFF80, v37  }
0x136: {  	v39 =	vadd.s32 $0x35, v2;
	v27 =	vor.u32 v27, v9;
	v29 =	vor.u32 v34, v35  }
0x137: {  	v40 =	vand.u32 $0xFFFFFF80, v31;
	v41 =	vand.u32 $0x7F, v31;
	v31 =	vand.u32 $0x7F, v39  }
0x138: {  	v12 =	vld.idx.msk [tilespmem:v59+s14+$0x0], $0xffff;
	v34 =	vadd.s32 $0x37, v3;
	v32 =	vadd.f32 v63, v8;
	v42 =	vadd.s32 v1, v40  }
0x139: {  	v8 =	vld.idx.msk [tilespmem:v26+s14+$0x0], $0xffff;
	v26 =	vand.u32 $0x7F, v43;
	v40 =	vand.u32 $0xFFFFFF80, v39;
	v35 =	vand.u32 $0xFFFFFF80, v34  }
0x13a: {  	v9 =	vld.idx.msk [tilespmem:v7+s14+$0x0], $0xffff;
	v34 =	vand.u32 $0x7F, v34;
	v45 =	vor.u32 v41, v42;
	v26 =	vor.u32 v26, v47  }
0x13b: {  	v5 =	vld.idx.msk [tilespmem:v11+s13+$0x0], $0xffff;
	v41 =	vadd.s32 $0x36, v3;
	v35 =	vadd.s32 v1, v35;
	v49 =	vadd.f32 v33, v32  }
0x13c: {  	v32 =	vadd.s32 v1, v40;
	v42 =	vand.u32 $0xFFFFFF80, v41;
	v43 =	vand.u32 $0x7F, v41;
	v7 =	vld.idx.msk [tilespmem:v28+s13+$0x0], $0xffff  }
0x13d: {  	v34 =	vor.u32 v34, v35;
	v13 =	vld.idx.msk [tilespmem:v30+s14+$0x0], $0xffff;
	v30 =	vadd.f32 v25, v22;
	v44 =	vmul.f32 v12, v12  }
0x13e: {  	v25 =	vand.u32 $0x7F, v37;
	v31 =	vor.u32 v31, v32;
	v37 =	vadd.s32 $0x38, v3;
	v11 =	vld.idx.msk [tilespmem:v27+s14+$0x0], $0xffff  }
0x13f: {  	v10 =	vld.idx.msk [tilespmem:v29+s13+$0x0], $0xffff;
	v48 =	vmul.f32 v9, v9;
	v51 =	vmul.f32 v8, v8;
	v24 =	vadd.f32 v44, v58  }
0x140: {  	v50 =	vmul.f32 v5, v5;
	v14 =	vld.idx.msk [tilespmem:v45+s13+$0x0], $0xffff;
	v58 =	vadd.s32 $0x34, v3;
	v44 =	vadd.s32 $0x36, v2  }
0x141: {  	v15 =	vld.idx.msk [tilespmem:v26+s14+$0x0], $0xffff;
	v61 =	vand.u32 $0xFFFFFF80, v58;
	v22 =	vand.u32 $0x7F, v58;
	v24 =	vadd.f32 v48, v24  }
0x142: {  	v45 =	vand.u32 $0xFFFFFF80, v44;
	v33 =	vand.u32 $0x7F, v44;
	v27 =	vadd.f32 v50, v49  }
0x143: {  	v52 =	vmul.f32 v7, v7;
	v54 =	vmul.f32 v11, v11;
	v53 =	vadd.f32 v51, v24  }
0x144: {  	v56 =	vmul.f32 v13, v13;
	v49 =	vand.u32 $0xFFFFFF80, v37;
	v37 =	vand.u32 $0x7F, v37  }
0x145: {  	v55 =	vmul.f32 v10, v10;
	v27 =	vadd.f32 v52, v27;
	v23 =	vadd.f32 v54, v53  }
0x146: {  	v24 =	vand.u32 $0x7F, v62;
	v60 =	vmul.f32 v14, v14;
	v63 =	vmul.f32 v15, v15  }
0x147: {  	v57 =	vadd.f32 v55, v27;
	v59 =	vadd.f32 v56, v23;
	v23 =	vadd.s32 v1, v61  }
0x148: {  	v55 =	vmul.f32 v21, v20;
	v22 =	vor.u32 v22, v23;
	v23 =	vadd.s32 v1, v36  }
0x149: {  	v28 =	vadd.f32 v60, v57;
	v23 =	vor.u32 v24, v23;
	v24 =	vadd.s32 v1, v38  }
0x14a: {  	v56 =	vadd.s32 $0x39, v3;
	v36 =	vadd.s32 $0x37, v2;
	v25 =	vor.u32 v25, v24  }
0x14b: {  	v30 =	vadd.f32 v55, v30;
	v46 =	vand.u32 $0xFFFFFF80, v36;
	v24 =	vadd.s32 v1, v42  }
0x14c: {  	v21 =	vld.idx.msk [tilespmem:v34+s13+$0x0], $0xffff;
	v47 =	vand.u32 $0x7F, v36;
	v48 =	vadd.s32 v1, v46;
	v32 =	vor.u32 v43, v24  }
0x14d: {  	v38 =	vadd.s32 $0x38, v2;
	v24 =	vadd.s32 v1, v45;
	v35 =	vor.u32 v47, v48;
	v22 =	vld.idx.msk [tilespmem:v22+s13+$0x0], $0xffff  }
0x14e: {  	v36 =	vadd.s32 v1, v49;
	v29 =	vadd.f32 v63, v59;
	v33 =	vor.u32 v33, v24;
	v24 =	vld.idx.msk [tilespmem:v23+s14+$0x0], $0xffff  }
0x14f: {  	v59 =	vand.u32 $0xFFFFFF80, v56;
	v30 =	vadd.f32 v16, v30;
	v49 =	vadd.s32 $0x39, v2;
	v23 =	vld.idx.msk [tilespmem:v25+s13+$0x0], $0xffff  }
0x150: {  	v39 =	vand.u32 $0xFFFFFF80, v38;
	v50 =	vor.u32 v37, v36;
	v51 =	vand.u32 $0x7F, v38;
	v25 =	vld.idx.msk [tilespmem:v31+s14+$0x0], $0xffff  }
0x151: {  	v34 =	vadd.s32 v1, v59;
	v44 =	vmul.f32 v21, v21;
	v52 =	vadd.s32 v1, v39;
	v26 =	vld.idx.msk [tilespmem:v32+s13+$0x0], $0xffff  }
0x152: {  	v17 =	vadd.f32 v17, v30;
	v30 =	vand.u32 $0x7F, v49;
	v27 =	vld.idx.msk [tilespmem:v35+s14+$0x0], $0xffff;
	v53 =	vmul.f32 v22, v22  }
0x153: {  	v54 =	vor.u32 v51, v52;
	v51 =	vadd.s32 $0x3A, v3;
	v20 =	vld.idx.msk [tilespmem:v33+s14+$0x0], $0xffff;
	v33 =	vand.u32 $0x7F, v56  }
0x154: {  	v63 =	vor.u32 v33, v34;
	v58 =	vmul.f32 v24, v24;
	v57 =	vadd.f32 v53, v28  }
0x155: {  	v60 =	vmul.f32 v23, v23;
	v62 =	vmul.f32 v25, v25;
	v28 =	vld.idx.msk [tilespmem:v50+s13+$0x0], $0xffff;
	v50 =	vand.u32 $0xFFFFFF80, v49  }
0x156: {  	v53 =	vand.u32 $0xFFFFFF80, v51;
	v61 =	vadd.f32 v58, v29;
	v40 =	vmul.f32 v26, v26  }
0x157: {  	v45 =	vmul.f32 v27, v27;
	v31 =	vadd.s32 v1, v50;
	v33 =	vadd.s32 v1, v53  }
0x158: {  	v29 =	vld.idx.msk [tilespmem:v54+s14+$0x0], $0xffff;
	v54 =	vadd.s32 $0x3A, v2;
	v58 =	vadd.s32 $0x3B, v3;
	v38 =	vadd.f32 v60, v57  }
0x159: {  	v42 =	vmul.f32 v20, v20;
	v30 =	vor.u32 v30, v31;
	v56 =	vand.u32 $0xFFFFFF80, v54  }
0x15a: {  	v57 =	vand.u32 $0x7F, v54;
	v59 =	vand.u32 $0xFFFFFF80, v58;
	v60 =	vadd.s32 $0x3B, v2  }
0x15b: {  	v34 =	vand.u32 $0x7F, v58;
	v41 =	vadd.f32 v62, v61;
	v61 =	vand.u32 $0xFFFFFF80, v60  }
0x15c: {  	v35 =	vand.u32 $0x7F, v60;
	v62 =	vadd.s32 $0x3C, v3;
	v43 =	vadd.f32 v40, v38  }
0x15d: {  	v36 =	vadd.s32 v1, v61;
	v40 =	vadd.s32 $0x3D, v2;
	v32 =	vadd.f32 v42, v41  }
0x15e: {  	v16 =	vld.idx.msk [tilespmem:v63+s13+$0x0], $0xffff;
	v47 =	vmul.f32 v28, v28;
	v63 =	vor.u32 v35, v36;
	v50 =	vand.u32 $0xFFFFFF80, v40  }
0x15f: {  	v41 =	vadd.s32 $0x3E, v2;
	v18 =	vadd.f32 v44, v43;
	v48 =	vmul.f32 v29, v29  }
0x160: {  	v43 =	vand.u32 $0xFFFFFF80, v62;
	v44 =	vand.u32 $0x7F, v62;
	v42 =	vand.u32 $0xFFFFFF80, v41  }
0x161: {  	v41 =	vand.u32 $0x7F, v41;
	v46 =	vadd.f32 v45, v32;
	v32 =	vand.u32 $0x7F, v51  }
0x162: {  	v35 =	vadd.s32 v1, v43;
	v45 =	vadd.s32 $0x3C, v2;
	v51 =	vand.u32 $0x7F, v40  }
0x163: {  	v42 =	vadd.s32 v1, v42;
	v2 =	vadd.s32 $0x3F, v2;
	v18 =	vadd.f32 v47, v18  }
0x164: {  	v52 =	vmul.f32 v16, v16;
	v55 =	vor.u32 v32, v33;
	v32 =	vadd.s32 v1, v56  }
0x165: {  	v33 =	vadd.s32 v1, v59;
	v35 =	vor.u32 v44, v35;
	v47 =	vadd.s32 $0x3D, v3  }
0x166: {  	v37 =	vand.u32 $0x7F, v45;
	v54 =	vor.u32 v41, v42;
	v32 =	vor.u32 v57, v32  }
0x167: {  	v19 =	vadd.f32 v48, v46;
	v33 =	vor.u32 v34, v33;
	v46 =	vand.u32 $0xFFFFFF80, v45  }
0x168: {  	v30 =	vld.idx.msk [tilespmem:v30+s14+$0x0], $0xffff;
	v48 =	vand.u32 $0xFFFFFF80, v47;
	v38 =	vand.u32 $0x7F, v47;
	v57 =	vand.u32 $0xFFFFFF80, v2  }
0x169: {  	v2 =	vand.u32 $0x7F, v2;
	v18 =	vadd.f32 v52, v18;
	v36 =	vadd.s32 v1, v46  }
0x16a: {  	v39 =	vadd.s32 v1, v48;
	v52 =	vadd.s32 $0x3E, v3;
	v36 =	vor.u32 v37, v36;
	v31 =	vld.idx.msk [tilespmem:v55+s13+$0x0], $0xffff  }
0x16b: {  	v3 =	vadd.s32 $0x3F, v3;
	v49 =	vor.u32 v38, v39;
	v38 =	vadd.s32 v1, v50;
	v32 =	vld.idx.msk [tilespmem:v32+s14+$0x0], $0xffff  }
0x16c: {  	v34 =	vld.idx.msk [tilespmem:v63+s14+$0x0], $0xffff;
	v53 =	vand.u32 $0xFFFFFF80, v52;
	v40 =	vand.u32 $0x7F, v52;
	v38 =	vor.u32 v51, v38  }
0x16d: {  	v39 =	vadd.s32 v1, v53;
	v56 =	vmul.f32 v30, v30;
	v55 =	vand.u32 $0xFFFFFF80, v3;
	v33 =	vld.idx.msk [tilespmem:v33+s13+$0x0], $0xffff  }
0x16e: {  	v39 =	vor.u32 v40, v39;
	v3 =	vand.u32 $0x7F, v3;
	v35 =	vld.idx.msk [tilespmem:v35+s13+$0x0], $0xffff;
	v41 =	vadd.s32 v1, v55  }
0x16f: {  	v1 =	vadd.s32 v1, v57;
	v19 =	vadd.f32 v56, v19;
	v3 =	vor.u32 v3, v41;
	v36 =	vld.idx.msk [tilespmem:v36+s14+$0x0], $0xffff  }
0x170: {  	v1 =	vor.u32 v2, v1;
	v37 =	vld.idx.msk [tilespmem:v49+s13+$0x0], $0xffff;
	v58 =	vmul.f32 v31, v31;
	v2 =	vmul.f32 v32, v32  }
0x171: {  	v61 =	vmul.f32 v34, v34;
	v38 =	vld.idx.msk [tilespmem:v38+s14+$0x0], $0xffff  }
0x172: {  	v63 =	vld.idx.msk [tilespmem:v54+s14+$0x0], $0xffff;
	v60 =	vmul.f32 v33, v33;
	v59 =	vadd.f32 v58, v18;
	v2 =	vadd.f32 v2, v19  }
0x173: {  	v4 =	vmul.f32 v12, v4;
	v39 =	vld.idx.msk [tilespmem:v39+s13+$0x0], $0xffff;
	v62 =	vmul.f32 v35, v35  }
0x174: {  	v3 =	vld.idx.msk [tilespmem:v3+s13+$0x0], $0xffff;
	v40 =	vmul.f32 v36, v36;
	v12 =	vadd.f32 v60, v59;
	v2 =	vadd.f32 v61, v2  }
0x175: {  	v6 =	vmul.f32 v9, v6;
	v4 =	vadd.f32 v4, v17;
	v1 =	vld.idx.msk [tilespmem:v1+s14+$0x0], $0xffff;
	v41 =	vmul.f32 v37, v37  }
0x176: {  	v42 =	vmul.f32 v38, v38;
	v12 =	vadd.f32 v62, v12;
	v2 =	vadd.f32 v40, v2  }
0x177: {  	v5 =	vmul.f32 v8, v5;
	v4 =	vadd.f32 v6, v4;
	v45 =	vmul.f32 v63, v63  }
0x178: {  	v44 =	vmul.f32 v39, v39;
	v43 =	vadd.f32 v41, v12;
	v2 =	vadd.f32 v42, v2  }
0x179: {  	v4 =	vadd.f32 v5, v4;
	v46 =	vmul.f32 v11, v7;
	v48 =	vmul.f32 v3, v3  }
0x17a: {  	v49 =	vmul.f32 v1, v1;
	v47 =	vadd.f32 v44, v43;
	v2 =	vadd.f32 v45, v2  }
0x17b: {  	v4 =	vadd.f32 v46, v4  }
0x17c: {  	v50 =	vmul.f32 v13, v10;
	v6 =	vadd.f32 v48, v47;
	v2 =	vadd.f32 v49, v2;
	_ =	sdelay $0x1  }
0x17d: {  	v51 =	vmul.f32 v15, v14;
	v4 =	vadd.f32 v50, v4;
	v2 =	vmul.f32 v2, v6  }
0x17e: {  	v52 =	vmul.f32 v24, v22  }
0x17f: {  	v4 =	vadd.f32 v51, v4;
	v6 =	vshrl.u32 v2, $0x1;
	v2 =	vmul.f32 $5.000000000e-01, v2  }
0x180: {  	v6 =	vsub.s32 $0x5F3759DF, v6  }
0x181: {  	v53 =	vmul.f32 v25, v23;
	v4 =	vadd.f32 v52, v4;
	v54 =	vmul.f32 v6, v2;
	_ =	sdelay $0x1  }
0x182: {  	v55 =	vmul.f32 v20, v26;
	v4 =	vadd.f32 v53, v4;
	v7 =	vmul.f32 v6, v54;
	_ =	sdelay $0x1  }
0x183: {  	v56 =	vmul.f32 v27, v21;
	v4 =	vadd.f32 v55, v4;
	v7 =	vsub.f32 $1.500000000e+00, v7;
	_ =	sdelay $0x1  }
0x184: {  	v57 =	vmul.f32 v29, v28;
	v4 =	vadd.f32 v56, v4;
	v6 =	vmul.f32 v6, v7;
	_ =	sdelay $0x1  }
0x185: {  	v58 =	vmul.f32 v30, v16;
	v4 =	vadd.f32 v57, v4;
	v7 =	vmul.f32 v6, v2;
	_ =	sdelay $0x1  }
0x186: {  	v59 =	vmul.f32 v32, v31;
	v4 =	vadd.f32 v58, v4;
	v7 =	vmul.f32 v7, v6;
	_ =	sdelay $0x1  }
0x187: {  	v60 =	vmul.f32 v34, v33;
	v4 =	vadd.f32 v59, v4;
	v7 =	vsub.f32 $1.500000000e+00, v7;
	_ =	sdelay $0x1  }
0x188: {  	v61 =	vmul.f32 v36, v35;
	v4 =	vadd.f32 v60, v4;
	v6 =	vmul.f32 v7, v6;
	_ =	sdelay $0x1  }
0x189: {  	v62 =	vmul.f32 v38, v37;
	v4 =	vadd.f32 v61, v4;
	v2 =	vmul.f32 v6, v2;
	_ =	sdelay $0x1  }
0x18a: {  	v63 =	vmul.f32 v63, v39;
	v4 =	vadd.f32 v62, v4;
	v2 =	vmul.f32 v2, v6;
	_ =	sdelay $0x1  }
0x18b: {  	v1 =	vmul.f32 v1, v3;
	v4 =	vadd.f32 v63, v4;
	v2 =	vsub.f32 $1.500000000e+00, v2  }
0x18c: {  	p0 =	sne.s32 s21, $0x70  }
.Ltmp0:
0x18d: {  	v1 =	vadd.f32 v1, v4;
	v2 =	vmul.f32 v2, v6;
	(pc) =	sbr.rel @p0 .LBB2_3-.Ltmp0, $4  }
0x18e: {  	_ = 	snop  }
0x18f: {  	v1 =	vmul.f32 v2, v1  }
0x190: {  	s22 =	sadd.s32 $0x10, s22  }
0x191: {  	s23 =	sadd.s32 $0x10, s23;
	s21 =	sadd.s32 $0x10, s21;
	[tilespmem:s24+$0x0] =	vst v1;
	s24 =	sadd.s32 $0x10, s24  }
0x192: {  	s20 =	sadd.s32 $0x1, s20  }
0x193: {  	p0 =	sne.s32 s20, $0x4  }
.Ltmp1:
0x194: {  	_ = 	snop;
	(pc) =	sbr.rel @p0 .LBB2_2-.Ltmp1, $2  }
0x195: {  	_ =	sdelay $0x2  }
0x196: {  	s19 =	sadd.s32 $0x80, s19  }
0x197: {  	s18 =	sadd.s32 $0x1, s18  }
0x198: {  	p0 =	sne.s32 s18, s10  }
.Ltmp2:
0x199: {  	_ = 	snop;
	(pc) =	sbr.rel @p0 .LBB2_1-.Ltmp2, $4  }
0x19a: {  	[hbm4b:s9+s7] =	stream.linear.scatter [tilespmem:s17], [sflag:$0x3], $0x200, $0x38;
	[tilespmem:$0x8400] =	vst v63  }
0x19b: {  	_ =	swait.ge [sflag:s11], $0x200  }
0x19c: {  	[sflag:s11] =	ssyncset.done $0x0  }
0x19d: {  	[sflag:s11] =	ssyncadd.s32 $0xFFFFFE00  }
0x19e: {  	_ =	sfence.sel $0x180000  }
0x19f: {  	[bflag:$0x0] =	sbarrier.arrive $0xFFFF  }
0x1a0: {  	p0 =	sne.s32 s4, $0x0;
	_ =	strace $0x90000047  }
0x1a1: {  	s0 =	sadd.s32 @!p0 $0x100000, s3;
	[bflag:$0x2] =	sbarrier.arrive $0xFFFF  }
0x1a2: {  	[sflag:s0] =	ssyncadd.tile.s32 @!p0 $0x1;
	_ =	shalt  }
.Lfunc_end2:
_tile_overlayer_lowered:
.L_overlay_start_2:
0x1a3: {  	(tag) =	ssettag $0x2  }
0x1a4: {  	s0 =	rddreg [dreg:$0x0];
	s2 =	stileid.u32  }
0x1a5: {  	s1 =	rddreg [dreg:$0x1];
	p0 =	sne.s32 s2, $0x0  }
0x1a6: {  	s3 =	rddreg [dreg:$0x2];
	[bflag:$0x3] =	sbarrier.arrive $0xFFFF;
	s2 =	simm.s32 @!p0 $0x1C03  }
0x1a7: {  	[timem:s3], [sflag:s2] =	dma.local @!p0 [hbm:s0], s1  }
0x1a8: {  	s0 =	simm.s32 @!p0 $0x3  }
0x1a9: {  	_ =	swait.ge @!p0 [sflag:s0], s1  }
0x1aa: {  	s1 =	ssub.s32 @!p0 $0x0, s1;
	[sflag:s0] =	ssyncset.done @!p0 $0x0  }
0x1ab: {  	[sflag:s0] =	ssyncadd.s32 @!p0 s1  }
0x1ac: {  	[bflag:$0x3] =	sbarrier.arrive $0xFFFF  }
0x1ad: {  	_ =	shalt  }

</sc_bundles>
